<compile_context>
chip_gen: v7x
topology: tpu7x:2x2x1
jax: 0.10.2.dev20260603
libtpu: 0.0.44.dev20260713+nightly
codegen_flags: <defaults>
</compile_context>

<pallas_src>
import functools

import jax
import jax.numpy as jnp
from jax import lax
from jax.experimental import pallas as pl
from jax.experimental.pallas import tpu as pltpu
from jax.experimental.pallas import tpu_sc as plsc


_CHUNK = 16
_NBUF = 7
_LAG = 6


@functools.lru_cache(maxsize=None)
def _build_copy(seq_len: int, embed_dim: int, dtype_name: str):
    dtype = jnp.dtype(dtype_name)
    info = plsc.get_sparse_core_info()
    nc, ns = info.num_cores, info.num_subcores
    nw = nc * ns
    assert seq_len % (nw * _CHUNK) == 0
    rows_per_w = seq_len // nw
    nchunks = rows_per_w // _CHUNK

    mesh = plsc.VectorSubcoreMesh(core_axis_name="c", subcore_axis_name="s")

    def body(table_hbm, out_hbm, ring, *sems):
        in_sems = sems[:_NBUF]
        out_sems = sems[_NBUF:]
        wid = lax.axis_index("s") * nc + lax.axis_index("c")
        base = wid * rows_per_w

        in_d = [None] * nchunks
        out_d = [None] * nchunks
        for i in range(nchunks + _LAG):
            if i < nchunks:
                b = i % _NBUF
                if i >= _NBUF:
                    out_d[i - _NBUF].wait()
                in_d[i] = pltpu.async_copy(
                    table_hbm.at[pl.ds(base + i * _CHUNK, _CHUNK)],
                    ring.at[b], in_sems[b])
            if i >= _LAG:
                j = i - _LAG
                in_d[j].wait()
                out_d[j] = pltpu.async_copy(
                    ring.at[j % _NBUF],
                    out_hbm.at[pl.ds(base + j * _CHUNK, _CHUNK)],
                    out_sems[j % _NBUF])
        for j in range(max(0, nchunks - _NBUF), nchunks):
            out_d[j].wait()

    return pl.kernel(
        body,
        out_type=jax.ShapeDtypeStruct((seq_len, embed_dim), dtype),
        mesh=mesh,
        scratch_types=(
            [pltpu.VMEM((_NBUF, _CHUNK, embed_dim), dtype)]
            + [pltpu.SemaphoreType.DMA for _ in range(2 * _NBUF)]
        ),
    )


def kernel(idx, table):
    seq_len = idx.shape[1]
    return _build_copy(seq_len, table.shape[1], table.dtype.name)(table)

# --- scband reference (transcript-rebuilt; emitter-appended) ---
"""Pipeline reference for scband-positional-embedding-19138374271248 (READ-ONLY COPY).

The authoritative reference and input builder live on the scoring server;
editing this copy changes nothing except your own understanding.
"""

import jax, jax.numpy as jnp
import numpy as np

SEQ_LEN = 8192
EMBED_DIM = 1024
BATCH = 4

def setup_inputs(seed: int = 0) -> dict:
    key = jax.random.key(seed)
    k_idx, k_tab = jax.random.split(key)
    idx = jax.random.randint(k_idx, (BATCH, SEQ_LEN), 0, SEQ_LEN, dtype=jnp.int64 if jax.config.read('jax_enable_x64') else jnp.int32)
    table = jax.random.normal(k_tab, (SEQ_LEN, EMBED_DIM), dtype=jnp.float32)
    return {"idx": idx, "table": table}

def reference(idx, table):
    # Faithful translation of PositionalEmbedding.forward:
    # seq_len = idx.shape[1]; return embedding(arange(seq_len))
    seq_len = idx.shape[1]
    positions = jnp.arange(seq_len)
    return jnp.take(table, positions, axis=0)

if __name__ == "__main__":
    import jax
    _d = setup_inputs()
    print(jax.jit(kernel)(*tuple(_d.values())))

</pallas_src>

<mosaic_0001>
#map = affine_map<(d0, d1) -> (0, 0)>
module attributes {stable_mosaic.version = 14 : i64} {
  func.func @body(%arg0: i32, %arg1: i32, %arg2: memref<8192x1024xf32, #tpu.memory_space<hbm>>, %arg3: memref<8192x1024xf32, #tpu.memory_space<hbm>>, %arg4: memref<7x16x1024xf32, #tpu.memory_space<vmem>>, %arg5: memref<!tpu.dma_semaphore, #tpu.memory_space<semaphore_mem>>, %arg6: memref<!tpu.dma_semaphore, #tpu.memory_space<semaphore_mem>>, %arg7: memref<!tpu.dma_semaphore, #tpu.memory_space<semaphore_mem>>, %arg8: memref<!tpu.dma_semaphore, #tpu.memory_space<semaphore_mem>>, %arg9: memref<!tpu.dma_semaphore, #tpu.memory_space<semaphore_mem>>, %arg10: memref<!tpu.dma_semaphore, #tpu.memory_space<semaphore_mem>>, %arg11: memref<!tpu.dma_semaphore, #tpu.memory_space<semaphore_mem>>, %arg12: memref<!tpu.dma_semaphore, #tpu.memory_space<semaphore_mem>>, %arg13: memref<!tpu.dma_semaphore, #tpu.memory_space<semaphore_mem>>, %arg14: memref<!tpu.dma_semaphore, #tpu.memory_space<semaphore_mem>>, %arg15: memref<!tpu.dma_semaphore, #tpu.memory_space<semaphore_mem>>, %arg16: memref<!tpu.dma_semaphore, #tpu.memory_space<semaphore_mem>>, %arg17: memref<!tpu.dma_semaphore, #tpu.memory_space<semaphore_mem>>, %arg18: memref<!tpu.dma_semaphore, #tpu.memory_space<semaphore_mem>>) attributes {dimension_semantics = [#tpu.dimension_semantics<core_parallel>, #tpu.dimension_semantics<subcore_parallel>], iteration_bounds = array<i64: 2, 16>, scalar_prefetch = 0 : i64, scratch_operands = 15 : i64, tpu.core_type = #tpu.core_type<sc_vector_subcore>, window_params = [{transform_indices = #map}, {transform_indices = #map}]} {
    %mul3A = arith.constant 2 : i32
    %mul3A_0 = arith.muli %arg1, %mul3A : i32
    %add3A = arith.addi %mul3A_0, %arg0 : i32
    %mul3A_1 = arith.constant 256 : i32
    %mul3A_2 = arith.muli %add3A, %mul3A_1 : i32
    %add3A_3 = arith.constant 0 : i32
    %add3A_4 = arith.addi %mul3A_2, %add3A_3 : i32
    %dma_start3A = arith.constant 0 : i32
    %dma_start3A_5 = arith.constant 0 : i32
    %dma_start3A_6 = arith.constant 0 : i32
    %dma_start3A_7 = tpu.memref_slice %arg4[%dma_start3A, %dma_start3A_5, %dma_start3A_6] : memref<7x16x1024xf32, #tpu.memory_space<vmem>> -> memref<1x16x1024xf32, #tpu.memory_space<vmem>>
    %dma_start3A_8 = tpu.memref_squeeze %dma_start3A_7 : memref<1x16x1024xf32, #tpu.memory_space<vmem>> -> memref<16x1024xf32, #tpu.memory_space<vmem>>
    %dma_start3A_9 = arith.constant 0 : i32
    %dma_start3A_10 = tpu.memref_slice %arg2[%add3A_4, %dma_start3A_9] : memref<8192x1024xf32, #tpu.memory_space<hbm>> -> memref<16x1024xf32, #tpu.memory_space<hbm>>
    %dma_start3A_11 = arith.constant 0 : i32
    %dma_start3A_12 = arith.constant 0 : i32
    %dma_start3A_13 = tpu.memref_slice %arg4[%dma_start3A, %dma_start3A_11, %dma_start3A_12] : memref<7x16x1024xf32, #tpu.memory_space<vmem>> -> memref<1x16x1024xf32, #tpu.memory_space<vmem>>
    %dma_start3A_14 = tpu.memref_squeeze %dma_start3A_13 : memref<1x16x1024xf32, #tpu.memory_space<vmem>> -> memref<16x1024xf32, #tpu.memory_space<vmem>>
    %dma_start3A_15 = arith.constant 0 : i32
    %dma_start3A_16 = tpu.memref_slice %arg2[%add3A_4, %dma_start3A_15] : memref<8192x1024xf32, #tpu.memory_space<hbm>> -> memref<16x1024xf32, #tpu.memory_space<hbm>>
    tpu.enqueue_dma source(%dma_start3A_16 : memref<16x1024xf32, #tpu.memory_space<hbm>>) target(%dma_start3A_14 : memref<16x1024xf32, #tpu.memory_space<vmem>>) target_semaphore(%arg5 : memref<!tpu.dma_semaphore, #tpu.memory_space<semaphore_mem>>)
    %add3A_17 = arith.constant 16 : i32
    %add3A_18 = arith.addi %mul3A_2, %add3A_17 : i32
    %dma_start3A_19 = arith.constant 1 : i32
    %dma_start3A_20 = arith.constant 0 : i32
    %dma_start3A_21 = arith.constant 0 : i32
    %dma_start3A_22 = tpu.memref_slice %arg4[%dma_start3A_19, %dma_start3A_20, %dma_start3A_21] : memref<7x16x1024xf32, #tpu.memory_space<vmem>> -> memref<1x16x1024xf32, #tpu.memory_space<vmem>>
    %dma_start3A_23 = tpu.memref_squeeze %dma_start3A_22 : memref<1x16x1024xf32, #tpu.memory_space<vmem>> -> memref<16x1024xf32, #tpu.memory_space<vmem>>
    %dma_start3A_24 = arith.constant 0 : i32
    %dma_start3A_25 = tpu.memref_slice %arg2[%add3A_18, %dma_start3A_24] : memref<8192x1024xf32, #tpu.memory_space<hbm>> -> memref<16x1024xf32, #tpu.memory_space<hbm>>
    %dma_start3A_26 = arith.constant 0 : i32
    %dma_start3A_27 = arith.constant 0 : i32
    %dma_start3A_28 = tpu.memref_slice %arg4[%dma_start3A_19, %dma_start3A_26, %dma_start3A_27] : memref<7x16x1024xf32, #tpu.memory_space<vmem>> -> memref<1x16x1024xf32, #tpu.memory_space<vmem>>
    %dma_start3A_29 = tpu.memref_squeeze %dma_start3A_28 : memref<1x16x1024xf32, #tpu.memory_space<vmem>> -> memref<16x1024xf32, #tpu.memory_space<vmem>>
    %dma_start3A_30 = arith.constant 0 : i32
    %dma_start3A_31 = tpu.memref_slice %arg2[%add3A_18, %dma_start3A_30] : memref<8192x1024xf32, #tpu.memory_space<hbm>> -> memref<16x1024xf32, #tpu.memory_space<hbm>>
    tpu.enqueue_dma source(%dma_start3A_31 : memref<16x1024xf32, #tpu.memory_space<hbm>>) target(%dma_start3A_29 : memref<16x1024xf32, #tpu.memory_space<vmem>>) target_semaphore(%arg6 : memref<!tpu.dma_semaphore, #tpu.memory_space<semaphore_mem>>)
    %add3A_32 = arith.constant 32 : i32
    %add3A_33 = arith.addi %mul3A_2, %add3A_32 : i32
    %dma_start3A_34 = arith.constant 2 : i32
    %dma_start3A_35 = arith.constant 0 : i32
    %dma_start3A_36 = arith.constant 0 : i32
    %dma_start3A_37 = tpu.memref_slice %arg4[%dma_start3A_34, %dma_start3A_35, %dma_start3A_36] : memref<7x16x1024xf32, #tpu.memory_space<vmem>> -> memref<1x16x1024xf32, #tpu.memory_space<vmem>>
    %dma_start3A_38 = tpu.memref_squeeze %dma_start3A_37 : memref<1x16x1024xf32, #tpu.memory_space<vmem>> -> memref<16x1024xf32, #tpu.memory_space<vmem>>
    %dma_start3A_39 = arith.constant 0 : i32
    %dma_start3A_40 = tpu.memref_slice %arg2[%add3A_33, %dma_start3A_39] : memref<8192x1024xf32, #tpu.memory_space<hbm>> -> memref<16x1024xf32, #tpu.memory_space<hbm>>
    %dma_start3A_41 = arith.constant 0 : i32
    %dma_start3A_42 = arith.constant 0 : i32
    %dma_start3A_43 = tpu.memref_slice %arg4[%dma_start3A_34, %dma_start3A_41, %dma_start3A_42] : memref<7x16x1024xf32, #tpu.memory_space<vmem>> -> memref<1x16x1024xf32, #tpu.memory_space<vmem>>
    %dma_start3A_44 = tpu.memref_squeeze %dma_start3A_43 : memref<1x16x1024xf32, #tpu.memory_space<vmem>> -> memref<16x1024xf32, #tpu.memory_space<vmem>>
    %dma_start3A_45 = arith.constant 0 : i32
    %dma_start3A_46 = tpu.memref_slice %arg2[%add3A_33, %dma_start3A_45] : memref<8192x1024xf32, #tpu.memory_space<hbm>> -> memref<16x1024xf32, #tpu.memory_space<hbm>>
    tpu.enqueue_dma source(%dma_start3A_46 : memref<16x1024xf32, #tpu.memory_space<hbm>>) target(%dma_start3A_44 : memref<16x1024xf32, #tpu.memory_space<vmem>>) target_semaphore(%arg7 : memref<!tpu.dma_semaphore, #tpu.memory_space<semaphore_mem>>)
    %add3A_47 = arith.constant 48 : i32
    %add3A_48 = arith.addi %mul3A_2, %add3A_47 : i32
    %dma_start3A_49 = arith.constant 3 : i32
    %dma_start3A_50 = arith.constant 0 : i32
    %dma_start3A_51 = arith.constant 0 : i32
    %dma_start3A_52 = tpu.memref_slice %arg4[%dma_start3A_49, %dma_start3A_50, %dma_start3A_51] : memref<7x16x1024xf32, #tpu.memory_space<vmem>> -> memref<1x16x1024xf32, #tpu.memory_space<vmem>>
    %dma_start3A_53 = tpu.memref_squeeze %dma_start3A_52 : memref<1x16x1024xf32, #tpu.memory_space<vmem>> -> memref<16x1024xf32, #tpu.memory_space<vmem>>
    %dma_start3A_54 = arith.constant 0 : i32
    %dma_start3A_55 = tpu.memref_slice %arg2[%add3A_48, %dma_start3A_54] : memref<8192x1024xf32, #tpu.memory_space<hbm>> -> memref<16x1024xf32, #tpu.memory_space<hbm>>
    %dma_start3A_56 = arith.constant 0 : i32
    %dma_start3A_57 = arith.constant 0 : i32
    %dma_start3A_58 = tpu.memref_slice %arg4[%dma_start3A_49, %dma_start3A_56, %dma_start3A_57] : memref<7x16x1024xf32, #tpu.memory_space<vmem>> -> memref<1x16x1024xf32, #tpu.memory_space<vmem>>
    %dma_start3A_59 = tpu.memref_squeeze %dma_start3A_58 : memref<1x16x1024xf32, #tpu.memory_space<vmem>> -> memref<16x1024xf32, #tpu.memory_space<vmem>>
    %dma_start3A_60 = arith.constant 0 : i32
    %dma_start3A_61 = tpu.memref_slice %arg2[%add3A_48, %dma_start3A_60] : memref<8192x1024xf32, #tpu.memory_space<hbm>> -> memref<16x1024xf32, #tpu.memory_space<hbm>>
    tpu.enqueue_dma source(%dma_start3A_61 : memref<16x1024xf32, #tpu.memory_space<hbm>>) target(%dma_start3A_59 : memref<16x1024xf32, #tpu.memory_space<vmem>>) target_semaphore(%arg8 : memref<!tpu.dma_semaphore, #tpu.memory_space<semaphore_mem>>)
    %add3A_62 = arith.constant 64 : i32
    %add3A_63 = arith.addi %mul3A_2, %add3A_62 : i32
    %dma_start3A_64 = arith.constant 4 : i32
    %dma_start3A_65 = arith.constant 0 : i32
    %dma_start3A_66 = arith.constant 0 : i32
    %dma_start3A_67 = tpu.memref_slice %arg4[%dma_start3A_64, %dma_start3A_65, %dma_start3A_66] : memref<7x16x1024xf32, #tpu.memory_space<vmem>> -> memref<1x16x1024xf32, #tpu.memory_space<vmem>>
    %dma_start3A_68 = tpu.memref_squeeze %dma_start3A_67 : memref<1x16x1024xf32, #tpu.memory_space<vmem>> -> memref<16x1024xf32, #tpu.memory_space<vmem>>
    %dma_start3A_69 = arith.constant 0 : i32
    %dma_start3A_70 = tpu.memref_slice %arg2[%add3A_63, %dma_start3A_69] : memref<8192x1024xf32, #tpu.memory_space<hbm>> -> memref<16x1024xf32, #tpu.memory_space<hbm>>
    %dma_start3A_71 = arith.constant 0 : i32
    %dma_start3A_72 = arith.constant 0 : i32
    %dma_start3A_73 = tpu.memref_slice %arg4[%dma_start3A_64, %dma_start3A_71, %dma_start3A_72] : memref<7x16x1024xf32, #tpu.memory_space<vmem>> -> memref<1x16x1024xf32, #tpu.memory_space<vmem>>
    %dma_start3A_74 = tpu.memref_squeeze %dma_start3A_73 : memref<1x16x1024xf32, #tpu.memory_space<vmem>> -> memref<16x1024xf32, #tpu.memory_space<vmem>>
    %dma_start3A_75 = arith.constant 0 : i32
    %dma_start3A_76 = tpu.memref_slice %arg2[%add3A_63, %dma_start3A_75] : memref<8192x1024xf32, #tpu.memory_space<hbm>> -> memref<16x1024xf32, #tpu.memory_space<hbm>>
    tpu.enqueue_dma source(%dma_start3A_76 : memref<16x1024xf32, #tpu.memory_space<hbm>>) target(%dma_start3A_74 : memref<16x1024xf32, #tpu.memory_space<vmem>>) target_semaphore(%arg9 : memref<!tpu.dma_semaphore, #tpu.memory_space<semaphore_mem>>)
    %add3A_77 = arith.constant 80 : i32
    %add3A_78 = arith.addi %mul3A_2, %add3A_77 : i32
    %dma_start3A_79 = arith.constant 5 : i32
    %dma_start3A_80 = arith.constant 0 : i32
    %dma_start3A_81 = arith.constant 0 : i32
    %dma_start3A_82 = tpu.memref_slice %arg4[%dma_start3A_79, %dma_start3A_80, %dma_start3A_81] : memref<7x16x1024xf32, #tpu.memory_space<vmem>> -> memref<1x16x1024xf32, #tpu.memory_space<vmem>>
    %dma_start3A_83 = tpu.memref_squeeze %dma_start3A_82 : memref<1x16x1024xf32, #tpu.memory_space<vmem>> -> memref<16x1024xf32, #tpu.memory_space<vmem>>
    %dma_start3A_84 = arith.constant 0 : i32
    %dma_start3A_85 = tpu.memref_slice %arg2[%add3A_78, %dma_start3A_84] : memref<8192x1024xf32, #tpu.memory_space<hbm>> -> memref<16x1024xf32, #tpu.memory_space<hbm>>
    %dma_start3A_86 = arith.constant 0 : i32
    %dma_start3A_87 = arith.constant 0 : i32
    %dma_start3A_88 = tpu.memref_slice %arg4[%dma_start3A_79, %dma_start3A_86, %dma_start3A_87] : memref<7x16x1024xf32, #tpu.memory_space<vmem>> -> memref<1x16x1024xf32, #tpu.memory_space<vmem>>
    %dma_start3A_89 = tpu.memref_squeeze %dma_start3A_88 : memref<1x16x1024xf32, #tpu.memory_space<vmem>> -> memref<16x1024xf32, #tpu.memory_space<vmem>>
    %dma_start3A_90 = arith.constant 0 : i32
    %dma_start3A_91 = tpu.memref_slice %arg2[%add3A_78, %dma_start3A_90] : memref<8192x1024xf32, #tpu.memory_space<hbm>> -> memref<16x1024xf32, #tpu.memory_space<hbm>>
    tpu.enqueue_dma source(%dma_start3A_91 : memref<16x1024xf32, #tpu.memory_space<hbm>>) target(%dma_start3A_89 : memref<16x1024xf32, #tpu.memory_space<vmem>>) target_semaphore(%arg10 : memref<!tpu.dma_semaphore, #tpu.memory_space<semaphore_mem>>)
    %add3A_92 = arith.constant 96 : i32
    %add3A_93 = arith.addi %mul3A_2, %add3A_92 : i32
    %dma_start3A_94 = arith.constant 6 : i32
    %dma_start3A_95 = arith.constant 0 : i32
    %dma_start3A_96 = arith.constant 0 : i32
    %dma_start3A_97 = tpu.memref_slice %arg4[%dma_start3A_94, %dma_start3A_95, %dma_start3A_96] : memref<7x16x1024xf32, #tpu.memory_space<vmem>> -> memref<1x16x1024xf32, #tpu.memory_space<vmem>>
    %dma_start3A_98 = tpu.memref_squeeze %dma_start3A_97 : memref<1x16x1024xf32, #tpu.memory_space<vmem>> -> memref<16x1024xf32, #tpu.memory_space<vmem>>
    %dma_start3A_99 = arith.constant 0 : i32
    %dma_start3A_100 = tpu.memref_slice %arg2[%add3A_93, %dma_start3A_99] : memref<8192x1024xf32, #tpu.memory_space<hbm>> -> memref<16x1024xf32, #tpu.memory_space<hbm>>
    %dma_start3A_101 = arith.constant 0 : i32
    %dma_start3A_102 = arith.constant 0 : i32
    %dma_start3A_103 = tpu.memref_slice %arg4[%dma_start3A_94, %dma_start3A_101, %dma_start3A_102] : memref<7x16x1024xf32, #tpu.memory_space<vmem>> -> memref<1x16x1024xf32, #tpu.memory_space<vmem>>
    %dma_start3A_104 = tpu.memref_squeeze %dma_start3A_103 : memref<1x16x1024xf32, #tpu.memory_space<vmem>> -> memref<16x1024xf32, #tpu.memory_space<vmem>>
    %dma_start3A_105 = arith.constant 0 : i32
    %dma_start3A_106 = tpu.memref_slice %arg2[%add3A_93, %dma_start3A_105] : memref<8192x1024xf32, #tpu.memory_space<hbm>> -> memref<16x1024xf32, #tpu.memory_space<hbm>>
    tpu.enqueue_dma source(%dma_start3A_106 : memref<16x1024xf32, #tpu.memory_space<hbm>>) target(%dma_start3A_104 : memref<16x1024xf32, #tpu.memory_space<vmem>>) target_semaphore(%arg11 : memref<!tpu.dma_semaphore, #tpu.memory_space<semaphore_mem>>)
    %dma_wait3A = arith.constant 0 : i32
    %dma_wait3A_107 = arith.constant 0 : i32
    %dma_wait3A_108 = arith.constant 0 : i32
    %dma_wait3A_109 = tpu.memref_slice %arg4[%dma_wait3A, %dma_wait3A_107, %dma_wait3A_108] : memref<7x16x1024xf32, #tpu.memory_space<vmem>> -> memref<1x16x1024xf32, #tpu.memory_space<vmem>>
    %dma_wait3A_110 = tpu.memref_squeeze %dma_wait3A_109 : memref<1x16x1024xf32, #tpu.memory_space<vmem>> -> memref<16x1024xf32, #tpu.memory_space<vmem>>
    %dma_wait3A_111 = arith.constant 0 : i32
    %dma_wait3A_112 = tpu.memref_slice %arg2[%add3A_4, %dma_wait3A_111] : memref<8192x1024xf32, #tpu.memory_space<hbm>> -> memref<16x1024xf32, #tpu.memory_space<hbm>>
    %dma_wait3A_113 = arith.constant 0 : i32
    %dma_wait3A_114 = arith.constant 0 : i32
    %dma_wait3A_115 = tpu.memref_slice %arg4[%dma_wait3A, %dma_wait3A_113, %dma_wait3A_114] : memref<7x16x1024xf32, #tpu.memory_space<vmem>> -> memref<1x16x1024xf32, #tpu.memory_space<vmem>>
    %dma_wait3A_116 = tpu.memref_squeeze %dma_wait3A_115 : memref<1x16x1024xf32, #tpu.memory_space<vmem>> -> memref<16x1024xf32, #tpu.memory_space<vmem>>
    %dma_wait3A_117 = arith.constant 0 : i32
    %dma_wait3A_118 = tpu.memref_slice %arg2[%add3A_4, %dma_wait3A_117] : memref<8192x1024xf32, #tpu.memory_space<hbm>> -> memref<16x1024xf32, #tpu.memory_space<hbm>>
    tpu.wait_dma2 semaphore(%arg5 : memref<!tpu.dma_semaphore, #tpu.memory_space<semaphore_mem>>) src(%dma_wait3A_118 : memref<16x1024xf32, #tpu.memory_space<hbm>>) dst(%dma_wait3A_116 : memref<16x1024xf32, #tpu.memory_space<vmem>>)
    %add3A_119 = arith.constant 0 : i32
    %add3A_120 = arith.addi %mul3A_2, %add3A_119 : i32
    %dma_start3A_121 = arith.constant 0 : i32
    %dma_start3A_122 = arith.constant 0 : i32
    %dma_start3A_123 = arith.constant 0 : i32
    %dma_start3A_124 = tpu.memref_slice %arg4[%dma_start3A_121, %dma_start3A_122, %dma_start3A_123] : memref<7x16x1024xf32, #tpu.memory_space<vmem>> -> memref<1x16x1024xf32, #tpu.memory_space<vmem>>
    %dma_start3A_125 = tpu.memref_squeeze %dma_start3A_124 : memref<1x16x1024xf32, #tpu.memory_space<vmem>> -> memref<16x1024xf32, #tpu.memory_space<vmem>>
    %dma_start3A_126 = arith.constant 0 : i32
    %dma_start3A_127 = tpu.memref_slice %arg3[%add3A_120, %dma_start3A_126] : memref<8192x1024xf32, #tpu.memory_space<hbm>> -> memref<16x1024xf32, #tpu.memory_space<hbm>>
    %dma_start3A_128 = arith.constant 0 : i32
    %dma_start3A_129 = tpu.memref_slice %arg3[%add3A_120, %dma_start3A_128] : memref<8192x1024xf32, #tpu.memory_space<hbm>> -> memref<16x1024xf32, #tpu.memory_space<hbm>>
    %dma_start3A_130 = arith.constant 0 : i32
    %dma_start3A_131 = arith.constant 0 : i32
    %dma_start3A_132 = tpu.memref_slice %arg4[%dma_start3A_121, %dma_start3A_130, %dma_start3A_131] : memref<7x16x1024xf32, #tpu.memory_space<vmem>> -> memref<1x16x1024xf32, #tpu.memory_space<vmem>>
    %dma_start3A_133 = tpu.memref_squeeze %dma_start3A_132 : memref<1x16x1024xf32, #tpu.memory_space<vmem>> -> memref<16x1024xf32, #tpu.memory_space<vmem>>
    tpu.enqueue_dma source(%dma_start3A_133 : memref<16x1024xf32, #tpu.memory_space<vmem>>) target(%dma_start3A_129 : memref<16x1024xf32, #tpu.memory_space<hbm>>) target_semaphore(%arg12 : memref<!tpu.dma_semaphore, #tpu.memory_space<semaphore_mem>>)
    %dma_wait3A_134 = arith.constant 0 : i32
    %dma_wait3A_135 = arith.constant 0 : i32
    %dma_wait3A_136 = arith.constant 0 : i32
    %dma_wait3A_137 = tpu.memref_slice %arg4[%dma_wait3A_134, %dma_wait3A_135, %dma_wait3A_136] : memref<7x16x1024xf32, #tpu.memory_space<vmem>> -> memref<1x16x1024xf32, #tpu.memory_space<vmem>>
    %dma_wait3A_138 = tpu.memref_squeeze %dma_wait3A_137 : memref<1x16x1024xf32, #tpu.memory_space<vmem>> -> memref<16x1024xf32, #tpu.memory_space<vmem>>
    %dma_wait3A_139 = arith.constant 0 : i32
    %dma_wait3A_140 = tpu.memref_slice %arg3[%add3A_120, %dma_wait3A_139] : memref<8192x1024xf32, #tpu.memory_space<hbm>> -> memref<16x1024xf32, #tpu.memory_space<hbm>>
    %dma_wait3A_141 = arith.constant 0 : i32
    %dma_wait3A_142 = tpu.memref_slice %arg3[%add3A_120, %dma_wait3A_141] : memref<8192x1024xf32, #tpu.memory_space<hbm>> -> memref<16x1024xf32, #tpu.memory_space<hbm>>
    %dma_wait3A_143 = arith.constant 0 : i32
    %dma_wait3A_144 = arith.constant 0 : i32
    %dma_wait3A_145 = tpu.memref_slice %arg4[%dma_wait3A_134, %dma_wait3A_143, %dma_wait3A_144] : memref<7x16x1024xf32, #tpu.memory_space<vmem>> -> memref<1x16x1024xf32, #tpu.memory_space<vmem>>
    %dma_wait3A_146 = tpu.memref_squeeze %dma_wait3A_145 : memref<1x16x1024xf32, #tpu.memory_space<vmem>> -> memref<16x1024xf32, #tpu.memory_space<vmem>>
    tpu.wait_dma2 semaphore(%arg12 : memref<!tpu.dma_semaphore, #tpu.memory_space<semaphore_mem>>) src(%dma_wait3A_146 : memref<16x1024xf32, #tpu.memory_space<vmem>>) dst(%dma_wait3A_142 : memref<16x1024xf32, #tpu.memory_space<hbm>>)
    %add3A_147 = arith.constant 112 : i32
    %add3A_148 = arith.addi %mul3A_2, %add3A_147 : i32
    %dma_start3A_149 = arith.constant 0 : i32
    %dma_start3A_150 = arith.constant 0 : i32
    %dma_start3A_151 = arith.constant 0 : i32
    %dma_start3A_152 = tpu.memref_slice %arg4[%dma_start3A_149, %dma_start3A_150, %dma_start3A_151] : memref<7x16x1024xf32, #tpu.memory_space<vmem>> -> memref<1x16x1024xf32, #tpu.memory_space<vmem>>
    %dma_start3A_153 = tpu.memref_squeeze %dma_start3A_152 : memref<1x16x1024xf32, #tpu.memory_space<vmem>> -> memref<16x1024xf32, #tpu.memory_space<vmem>>
    %dma_start3A_154 = arith.constant 0 : i32
    %dma_start3A_155 = tpu.memref_slice %arg2[%add3A_148, %dma_start3A_154] : memref<8192x1024xf32, #tpu.memory_space<hbm>> -> memref<16x1024xf32, #tpu.memory_space<hbm>>
    %dma_start3A_156 = arith.constant 0 : i32
    %dma_start3A_157 = arith.constant 0 : i32
    %dma_start3A_158 = tpu.memref_slice %arg4[%dma_start3A_149, %dma_start3A_156, %dma_start3A_157] : memref<7x16x1024xf32, #tpu.memory_space<vmem>> -> memref<1x16x1024xf32, #tpu.memory_space<vmem>>
    %dma_start3A_159 = tpu.memref_squeeze %dma_start3A_158 : memref<1x16x1024xf32, #tpu.memory_space<vmem>> -> memref<16x1024xf32, #tpu.memory_space<vmem>>
    %dma_start3A_160 = arith.constant 0 : i32
    %dma_start3A_161 = tpu.memref_slice %arg2[%add3A_148, %dma_start3A_160] : memref<8192x1024xf32, #tpu.memory_space<hbm>> -> memref<16x1024xf32, #tpu.memory_space<hbm>>
    tpu.enqueue_dma source(%dma_start3A_161 : memref<16x1024xf32, #tpu.memory_space<hbm>>) target(%dma_start3A_159 : memref<16x1024xf32, #tpu.memory_space<vmem>>) target_semaphore(%arg5 : memref<!tpu.dma_semaphore, #tpu.memory_space<semaphore_mem>>)
    %dma_wait3A_162 = arith.constant 1 : i32
    %dma_wait3A_163 = arith.constant 0 : i32
    %dma_wait3A_164 = arith.constant 0 : i32
    %dma_wait3A_165 = tpu.memref_slice %arg4[%dma_wait3A_162, %dma_wait3A_163, %dma_wait3A_164] : memref<7x16x1024xf32, #tpu.memory_space<vmem>> -> memref<1x16x1024xf32, #tpu.memory_space<vmem>>
    %dma_wait3A_166 = tpu.memref_squeeze %dma_wait3A_165 : memref<1x16x1024xf32, #tpu.memory_space<vmem>> -> memref<16x1024xf32, #tpu.memory_space<vmem>>
    %dma_wait3A_167 = arith.constant 0 : i32
    %dma_wait3A_168 = tpu.memref_slice %arg2[%add3A_18, %dma_wait3A_167] : memref<8192x1024xf32, #tpu.memory_space<hbm>> -> memref<16x1024xf32, #tpu.memory_space<hbm>>
    %dma_wait3A_169 = arith.constant 0 : i32
    %dma_wait3A_170 = arith.constant 0 : i32
    %dma_wait3A_171 = tpu.memref_slice %arg4[%dma_wait3A_162, %dma_wait3A_169, %dma_wait3A_170] : memref<7x16x1024xf32, #tpu.memory_space<vmem>> -> memref<1x16x1024xf32, #tpu.memory_space<vmem>>
    %dma_wait3A_172 = tpu.memref_squeeze %dma_wait3A_171 : memref<1x16x1024xf32, #tpu.memory_space<vmem>> -> memref<16x1024xf32, #tpu.memory_space<vmem>>
    %dma_wait3A_173 = arith.constant 0 : i32
    %dma_wait3A_174 = tpu.memref_slice %arg2[%add3A_18, %dma_wait3A_173] : memref<8192x1024xf32, #tpu.memory_space<hbm>> -> memref<16x1024xf32, #tpu.memory_space<hbm>>
    tpu.wait_dma2 semaphore(%arg6 : memref<!tpu.dma_semaphore, #tpu.memory_space<semaphore_mem>>) src(%dma_wait3A_174 : memref<16x1024xf32, #tpu.memory_space<hbm>>) dst(%dma_wait3A_172 : memref<16x1024xf32, #tpu.memory_space<vmem>>)
    %add3A_175 = arith.constant 16 : i32
    %add3A_176 = arith.addi %mul3A_2, %add3A_175 : i32
    %dma_start3A_177 = arith.constant 1 : i32
    %dma_start3A_178 = arith.constant 0 : i32
    %dma_start3A_179 = arith.constant 0 : i32
    %dma_start3A_180 = tpu.memref_slice %arg4[%dma_start3A_177, %dma_start3A_178, %dma_start3A_179] : memref<7x16x1024xf32, #tpu.memory_space<vmem>> -> memref<1x16x1024xf32, #tpu.memory_space<vmem>>
    %dma_start3A_181 = tpu.memref_squeeze %dma_start3A_180 : memref<1x16x1024xf32, #tpu.memory_space<vmem>> -> memref<16x1024xf32, #tpu.memory_space<vmem>>
    %dma_start3A_182 = arith.constant 0 : i32
    %dma_start3A_183 = tpu.memref_slice %arg3[%add3A_176, %dma_start3A_182] : memref<8192x1024xf32, #tpu.memory_space<hbm>> -> memref<16x1024xf32, #tpu.memory_space<hbm>>
    %dma_start3A_184 = arith.constant 0 : i32
    %dma_start3A_185 = tpu.memref_slice %arg3[%add3A_176, %dma_start3A_184] : memref<8192x1024xf32, #tpu.memory_space<hbm>> -> memref<16x1024xf32, #tpu.memory_space<hbm>>
    %dma_start3A_186 = arith.constant 0 : i32
    %dma_start3A_187 = arith.constant 0 : i32
    %dma_start3A_188 = tpu.memref_slice %arg4[%dma_start3A_177, %dma_start3A_186, %dma_start3A_187] : memref<7x16x1024xf32, #tpu.memory_space<vmem>> -> memref<1x16x1024xf32, #tpu.memory_space<vmem>>
    %dma_start3A_189 = tpu.memref_squeeze %dma_start3A_188 : memref<1x16x1024xf32, #tpu.memory_space<vmem>> -> memref<16x1024xf32, #tpu.memory_space<vmem>>
    tpu.enqueue_dma source(%dma_start3A_189 : memref<16x1024xf32, #tpu.memory_space<vmem>>) target(%dma_start3A_185 : memref<16x1024xf32, #tpu.memory_space<hbm>>) target_semaphore(%arg13 : memref<!tpu.dma_semaphore, #tpu.memory_space<semaphore_mem>>)
    %dma_wait3A_190 = arith.constant 1 : i32
    %dma_wait3A_191 = arith.constant 0 : i32
    %dma_wait3A_192 = arith.constant 0 : i32
    %dma_wait3A_193 = tpu.memref_slice %arg4[%dma_wait3A_190, %dma_wait3A_191, %dma_wait3A_192] : memref<7x16x1024xf32, #tpu.memory_space<vmem>> -> memref<1x16x1024xf32, #tpu.memory_space<vmem>>
    %dma_wait3A_194 = tpu.memref_squeeze %dma_wait3A_193 : memref<1x16x1024xf32, #tpu.memory_space<vmem>> -> memref<16x1024xf32, #tpu.memory_space<vmem>>
    %dma_wait3A_195 = arith.constant 0 : i32
    %dma_wait3A_196 = tpu.memref_slice %arg3[%add3A_176, %dma_wait3A_195] : memref<8192x1024xf32, #tpu.memory_space<hbm>> -> memref<16x1024xf32, #tpu.memory_space<hbm>>
    %dma_wait3A_197 = arith.constant 0 : i32
    %dma_wait3A_198 = tpu.memref_slice %arg3[%add3A_176, %dma_wait3A_197] : memref<8192x1024xf32, #tpu.memory_space<hbm>> -> memref<16x1024xf32, #tpu.memory_space<hbm>>
    %dma_wait3A_199 = arith.constant 0 : i32
    %dma_wait3A_200 = arith.constant 0 : i32
    %dma_wait3A_201 = tpu.memref_slice %arg4[%dma_wait3A_190, %dma_wait3A_199, %dma_wait3A_200] : memref<7x16x1024xf32, #tpu.memory_space<vmem>> -> memref<1x16x1024xf32, #tpu.memory_space<vmem>>
    %dma_wait3A_202 = tpu.memref_squeeze %dma_wait3A_201 : memref<1x16x1024xf32, #tpu.memory_space<vmem>> -> memref<16x1024xf32, #tpu.memory_space<vmem>>
    tpu.wait_dma2 semaphore(%arg13 : memref<!tpu.dma_semaphore, #tpu.memory_space<semaphore_mem>>) src(%dma_wait3A_202 : memref<16x1024xf32, #tpu.memory_space<vmem>>) dst(%dma_wait3A_198 : memref<16x1024xf32, #tpu.memory_space<hbm>>)
    %add3A_203 = arith.constant 128 : i32
    %add3A_204 = arith.addi %mul3A_2, %add3A_203 : i32
    %dma_start3A_205 = arith.constant 1 : i32
    %dma_start3A_206 = arith.constant 0 : i32
    %dma_start3A_207 = arith.constant 0 : i32
    %dma_start3A_208 = tpu.memref_slice %arg4[%dma_start3A_205, %dma_start3A_206, %dma_start3A_207] : memref<7x16x1024xf32, #tpu.memory_space<vmem>> -> memref<1x16x1024xf32, #tpu.memory_space<vmem>>
    %dma_start3A_209 = tpu.memref_squeeze %dma_start3A_208 : memref<1x16x1024xf32, #tpu.memory_space<vmem>> -> memref<16x1024xf32, #tpu.memory_space<vmem>>
    %dma_start3A_210 = arith.constant 0 : i32
    %dma_start3A_211 = tpu.memref_slice %arg2[%add3A_204, %dma_start3A_210] : memref<8192x1024xf32, #tpu.memory_space<hbm>> -> memref<16x1024xf32, #tpu.memory_space<hbm>>
    %dma_start3A_212 = arith.constant 0 : i32
    %dma_start3A_213 = arith.constant 0 : i32
    %dma_start3A_214 = tpu.memref_slice %arg4[%dma_start3A_205, %dma_start3A_212, %dma_start3A_213] : memref<7x16x1024xf32, #tpu.memory_space<vmem>> -> memref<1x16x1024xf32, #tpu.memory_space<vmem>>
    %dma_start3A_215 = tpu.memref_squeeze %dma_start3A_214 : memref<1x16x1024xf32, #tpu.memory_space<vmem>> -> memref<16x1024xf32, #tpu.memory_space<vmem>>
    %dma_start3A_216 = arith.constant 0 : i32
    %dma_start3A_217 = tpu.memref_slice %arg2[%add3A_204, %dma_start3A_216] : memref<8192x1024xf32, #tpu.memory_space<hbm>> -> memref<16x1024xf32, #tpu.memory_space<hbm>>
    tpu.enqueue_dma source(%dma_start3A_217 : memref<16x1024xf32, #tpu.memory_space<hbm>>) target(%dma_start3A_215 : memref<16x1024xf32, #tpu.memory_space<vmem>>) target_semaphore(%arg6 : memref<!tpu.dma_semaphore, #tpu.memory_space<semaphore_mem>>)
    %dma_wait3A_218 = arith.constant 2 : i32
    %dma_wait3A_219 = arith.constant 0 : i32
    %dma_wait3A_220 = arith.constant 0 : i32
    %dma_wait3A_221 = tpu.memref_slice %arg4[%dma_wait3A_218, %dma_wait3A_219, %dma_wait3A_220] : memref<7x16x1024xf32, #tpu.memory_space<vmem>> -> memref<1x16x1024xf32, #tpu.memory_space<vmem>>
    %dma_wait3A_222 = tpu.memref_squeeze %dma_wait3A_221 : memref<1x16x1024xf32, #tpu.memory_space<vmem>> -> memref<16x1024xf32, #tpu.memory_space<vmem>>
    %dma_wait3A_223 = arith.constant 0 : i32
    %dma_wait3A_224 = tpu.memref_slice %arg2[%add3A_33, %dma_wait3A_223] : memref<8192x1024xf32, #tpu.memory_space<hbm>> -> memref<16x1024xf32, #tpu.memory_space<hbm>>
    %dma_wait3A_225 = arith.constant 0 : i32
    %dma_wait3A_226 = arith.constant 0 : i32
    %dma_wait3A_227 = tpu.memref_slice %arg4[%dma_wait3A_218, %dma_wait3A_225, %dma_wait3A_226] : memref<7x16x1024xf32, #tpu.memory_space<vmem>> -> memref<1x16x1024xf32, #tpu.memory_space<vmem>>
    %dma_wait3A_228 = tpu.memref_squeeze %dma_wait3A_227 : memref<1x16x1024xf32, #tpu.memory_space<vmem>> -> memref<16x1024xf32, #tpu.memory_space<vmem>>
    %dma_wait3A_229 = arith.constant 0 : i32
    %dma_wait3A_230 = tpu.memref_slice %arg2[%add3A_33, %dma_wait3A_229] : memref<8192x1024xf32, #tpu.memory_space<hbm>> -> memref<16x1024xf32, #tpu.memory_space<hbm>>
    tpu.wait_dma2 semaphore(%arg7 : memref<!tpu.dma_semaphore, #tpu.memory_space<semaphore_mem>>) src(%dma_wait3A_230 : memref<16x1024xf32, #tpu.memory_space<hbm>>) dst(%dma_wait3A_228 : memref<16x1024xf32, #tpu.memory_space<vmem>>)
    %add3A_231 = arith.constant 32 : i32
    %add3A_232 = arith.addi %mul3A_2, %add3A_231 : i32
    %dma_start3A_233 = arith.constant 2 : i32
    %dma_start3A_234 = arith.constant 0 : i32
    %dma_start3A_235 = arith.constant 0 : i32
    %dma_start3A_236 = tpu.memref_slice %arg4[%dma_start3A_233, %dma_start3A_234, %dma_start3A_235] : memref<7x16x1024xf32, #tpu.memory_space<vmem>> -> memref<1x16x1024xf32, #tpu.memory_space<vmem>>
    %dma_start3A_237 = tpu.memref_squeeze %dma_start3A_236 : memref<1x16x1024xf32, #tpu.memory_space<vmem>> -> memref<16x1024xf32, #tpu.memory_space<vmem>>
    %dma_start3A_238 = arith.constant 0 : i32
    %dma_start3A_239 = tpu.memref_slice %arg3[%add3A_232, %dma_start3A_238] : memref<8192x1024xf32, #tpu.memory_space<hbm>> -> memref<16x1024xf32, #tpu.memory_space<hbm>>
    %dma_start3A_240 = arith.constant 0 : i32
    %dma_start3A_241 = tpu.memref_slice %arg3[%add3A_232, %dma_start3A_240] : memref<8192x1024xf32, #tpu.memory_space<hbm>> -> memref<16x1024xf32, #tpu.memory_space<hbm>>
    %dma_start3A_242 = arith.constant 0 : i32
    %dma_start3A_243 = arith.constant 0 : i32
    %dma_start3A_244 = tpu.memref_slice %arg4[%dma_start3A_233, %dma_start3A_242, %dma_start3A_243] : memref<7x16x1024xf32, #tpu.memory_space<vmem>> -> memref<1x16x1024xf32, #tpu.memory_space<vmem>>
    %dma_start3A_245 = tpu.memref_squeeze %dma_start3A_244 : memref<1x16x1024xf32, #tpu.memory_space<vmem>> -> memref<16x1024xf32, #tpu.memory_space<vmem>>
    tpu.enqueue_dma source(%dma_start3A_245 : memref<16x1024xf32, #tpu.memory_space<vmem>>) target(%dma_start3A_241 : memref<16x1024xf32, #tpu.memory_space<hbm>>) target_semaphore(%arg14 : memref<!tpu.dma_semaphore, #tpu.memory_space<semaphore_mem>>)
    %dma_wait3A_246 = arith.constant 2 : i32
    %dma_wait3A_247 = arith.constant 0 : i32
    %dma_wait3A_248 = arith.constant 0 : i32
    %dma_wait3A_249 = tpu.memref_slice %arg4[%dma_wait3A_246, %dma_wait3A_247, %dma_wait3A_248] : memref<7x16x1024xf32, #tpu.memory_space<vmem>> -> memref<1x16x1024xf32, #tpu.memory_space<vmem>>
    %dma_wait3A_250 = tpu.memref_squeeze %dma_wait3A_249 : memref<1x16x1024xf32, #tpu.memory_space<vmem>> -> memref<16x1024xf32, #tpu.memory_space<vmem>>
    %dma_wait3A_251 = arith.constant 0 : i32
    %dma_wait3A_252 = tpu.memref_slice %arg3[%add3A_232, %dma_wait3A_251] : memref<8192x1024xf32, #tpu.memory_space<hbm>> -> memref<16x1024xf32, #tpu.memory_space<hbm>>
    %dma_wait3A_253 = arith.constant 0 : i32
    %dma_wait3A_254 = tpu.memref_slice %arg3[%add3A_232, %dma_wait3A_253] : memref<8192x1024xf32, #tpu.memory_space<hbm>> -> memref<16x1024xf32, #tpu.memory_space<hbm>>
    %dma_wait3A_255 = arith.constant 0 : i32
    %dma_wait3A_256 = arith.constant 0 : i32
    %dma_wait3A_257 = tpu.memref_slice %arg4[%dma_wait3A_246, %dma_wait3A_255, %dma_wait3A_256] : memref<7x16x1024xf32, #tpu.memory_space<vmem>> -> memref<1x16x1024xf32, #tpu.memory_space<vmem>>
    %dma_wait3A_258 = tpu.memref_squeeze %dma_wait3A_257 : memref<1x16x1024xf32, #tpu.memory_space<vmem>> -> memref<16x1024xf32, #tpu.memory_space<vmem>>
    tpu.wait_dma2 semaphore(%arg14 : memref<!tpu.dma_semaphore, #tpu.memory_space<semaphore_mem>>) src(%dma_wait3A_258 : memref<16x1024xf32, #tpu.memory_space<vmem>>) dst(%dma_wait3A_254 : memref<16x1024xf32, #tpu.memory_space<hbm>>)
    %add3A_259 = arith.constant 144 : i32
    %add3A_260 = arith.addi %mul3A_2, %add3A_259 : i32
    %dma_start3A_261 = arith.constant 2 : i32
    %dma_start3A_262 = arith.constant 0 : i32
    %dma_start3A_263 = arith.constant 0 : i32
    %dma_start3A_264 = tpu.memref_slice %arg4[%dma_start3A_261, %dma_start3A_262, %dma_start3A_263] : memref<7x16x1024xf32, #tpu.memory_space<vmem>> -> memref<1x16x1024xf32, #tpu.memory_space<vmem>>
    %dma_start3A_265 = tpu.memref_squeeze %dma_start3A_264 : memref<1x16x1024xf32, #tpu.memory_space<vmem>> -> memref<16x1024xf32, #tpu.memory_space<vmem>>
    %dma_start3A_266 = arith.constant 0 : i32
    %dma_start3A_267 = tpu.memref_slice %arg2[%add3A_260, %dma_start3A_266] : memref<8192x1024xf32, #tpu.memory_space<hbm>> -> memref<16x1024xf32, #tpu.memory_space<hbm>>
    %dma_start3A_268 = arith.constant 0 : i32
    %dma_start3A_269 = arith.constant 0 : i32
    %dma_start3A_270 = tpu.memref_slice %arg4[%dma_start3A_261, %dma_start3A_268, %dma_start3A_269] : memref<7x16x1024xf32, #tpu.memory_space<vmem>> -> memref<1x16x1024xf32, #tpu.memory_space<vmem>>
    %dma_start3A_271 = tpu.memref_squeeze %dma_start3A_270 : memref<1x16x1024xf32, #tpu.memory_space<vmem>> -> memref<16x1024xf32, #tpu.memory_space<vmem>>
    %dma_start3A_272 = arith.constant 0 : i32
    %dma_start3A_273 = tpu.memref_slice %arg2[%add3A_260, %dma_start3A_272] : memref<8192x1024xf32, #tpu.memory_space<hbm>> -> memref<16x1024xf32, #tpu.memory_space<hbm>>
    tpu.enqueue_dma source(%dma_start3A_273 : memref<16x1024xf32, #tpu.memory_space<hbm>>) target(%dma_start3A_271 : memref<16x1024xf32, #tpu.memory_space<vmem>>) target_semaphore(%arg7 : memref<!tpu.dma_semaphore, #tpu.memory_space<semaphore_mem>>)
    %dma_wait3A_274 = arith.constant 3 : i32
    %dma_wait3A_275 = arith.constant 0 : i32
    %dma_wait3A_276 = arith.constant 0 : i32
    %dma_wait3A_277 = tpu.memref_slice %arg4[%dma_wait3A_274, %dma_wait3A_275, %dma_wait3A_276] : memref<7x16x1024xf32, #tpu.memory_space<vmem>> -> memref<1x16x1024xf32, #tpu.memory_space<vmem>>
    %dma_wait3A_278 = tpu.memref_squeeze %dma_wait3A_277 : memref<1x16x1024xf32, #tpu.memory_space<vmem>> -> memref<16x1024xf32, #tpu.memory_space<vmem>>
    %dma_wait3A_279 = arith.constant 0 : i32
    %dma_wait3A_280 = tpu.memref_slice %arg2[%add3A_48, %dma_wait3A_279] : memref<8192x1024xf32, #tpu.memory_space<hbm>> -> memref<16x1024xf32, #tpu.memory_space<hbm>>
    %dma_wait3A_281 = arith.constant 0 : i32
    %dma_wait3A_282 = arith.constant 0 : i32
    %dma_wait3A_283 = tpu.memref_slice %arg4[%dma_wait3A_274, %dma_wait3A_281, %dma_wait3A_282] : memref<7x16x1024xf32, #tpu.memory_space<vmem>> -> memref<1x16x1024xf32, #tpu.memory_space<vmem>>
    %dma_wait3A_284 = tpu.memref_squeeze %dma_wait3A_283 : memref<1x16x1024xf32, #tpu.memory_space<vmem>> -> memref<16x1024xf32, #tpu.memory_space<vmem>>
    %dma_wait3A_285 = arith.constant 0 : i32
    %dma_wait3A_286 = tpu.memref_slice %arg2[%add3A_48, %dma_wait3A_285] : memref<8192x1024xf32, #tpu.memory_space<hbm>> -> memref<16x1024xf32, #tpu.memory_space<hbm>>
    tpu.wait_dma2 semaphore(%arg8 : memref<!tpu.dma_semaphore, #tpu.memory_space<semaphore_mem>>) src(%dma_wait3A_286 : memref<16x1024xf32, #tpu.memory_space<hbm>>) dst(%dma_wait3A_284 : memref<16x1024xf32, #tpu.memory_space<vmem>>)
    %add3A_287 = arith.constant 48 : i32
    %add3A_288 = arith.addi %mul3A_2, %add3A_287 : i32
    %dma_start3A_289 = arith.constant 3 : i32
    %dma_start3A_290 = arith.constant 0 : i32
    %dma_start3A_291 = arith.constant 0 : i32
    %dma_start3A_292 = tpu.memref_slice %arg4[%dma_start3A_289, %dma_start3A_290, %dma_start3A_291] : memref<7x16x1024xf32, #tpu.memory_space<vmem>> -> memref<1x16x1024xf32, #tpu.memory_space<vmem>>
    %dma_start3A_293 = tpu.memref_squeeze %dma_start3A_292 : memref<1x16x1024xf32, #tpu.memory_space<vmem>> -> memref<16x1024xf32, #tpu.memory_space<vmem>>
    %dma_start3A_294 = arith.constant 0 : i32
    %dma_start3A_295 = tpu.memref_slice %arg3[%add3A_288, %dma_start3A_294] : memref<8192x1024xf32, #tpu.memory_space<hbm>> -> memref<16x1024xf32, #tpu.memory_space<hbm>>
    %dma_start3A_296 = arith.constant 0 : i32
    %dma_start3A_297 = tpu.memref_slice %arg3[%add3A_288, %dma_start3A_296] : memref<8192x1024xf32, #tpu.memory_space<hbm>> -> memref<16x1024xf32, #tpu.memory_space<hbm>>
    %dma_start3A_298 = arith.constant 0 : i32
    %dma_start3A_299 = arith.constant 0 : i32
    %dma_start3A_300 = tpu.memref_slice %arg4[%dma_start3A_289, %dma_start3A_298, %dma_start3A_299] : memref<7x16x1024xf32, #tpu.memory_space<vmem>> -> memref<1x16x1024xf32, #tpu.memory_space<vmem>>
    %dma_start3A_301 = tpu.memref_squeeze %dma_start3A_300 : memref<1x16x1024xf32, #tpu.memory_space<vmem>> -> memref<16x1024xf32, #tpu.memory_space<vmem>>
    tpu.enqueue_dma source(%dma_start3A_301 : memref<16x1024xf32, #tpu.memory_space<vmem>>) target(%dma_start3A_297 : memref<16x1024xf32, #tpu.memory_space<hbm>>) target_semaphore(%arg15 : memref<!tpu.dma_semaphore, #tpu.memory_space<semaphore_mem>>)
    %dma_wait3A_302 = arith.constant 3 : i32
    %dma_wait3A_303 = arith.constant 0 : i32
    %dma_wait3A_304 = arith.constant 0 : i32
    %dma_wait3A_305 = tpu.memref_slice %arg4[%dma_wait3A_302, %dma_wait3A_303, %dma_wait3A_304] : memref<7x16x1024xf32, #tpu.memory_space<vmem>> -> memref<1x16x1024xf32, #tpu.memory_space<vmem>>
    %dma_wait3A_306 = tpu.memref_squeeze %dma_wait3A_305 : memref<1x16x1024xf32, #tpu.memory_space<vmem>> -> memref<16x1024xf32, #tpu.memory_space<vmem>>
    %dma_wait3A_307 = arith.constant 0 : i32
    %dma_wait3A_308 = tpu.memref_slice %arg3[%add3A_288, %dma_wait3A_307] : memref<8192x1024xf32, #tpu.memory_space<hbm>> -> memref<16x1024xf32, #tpu.memory_space<hbm>>
    %dma_wait3A_309 = arith.constant 0 : i32
    %dma_wait3A_310 = tpu.memref_slice %arg3[%add3A_288, %dma_wait3A_309] : memref<8192x1024xf32, #tpu.memory_space<hbm>> -> memref<16x1024xf32, #tpu.memory_space<hbm>>
    %dma_wait3A_311 = arith.constant 0 : i32
    %dma_wait3A_312 = arith.constant 0 : i32
    %dma_wait3A_313 = tpu.memref_slice %arg4[%dma_wait3A_302, %dma_wait3A_311, %dma_wait3A_312] : memref<7x16x1024xf32, #tpu.memory_space<vmem>> -> memref<1x16x1024xf32, #tpu.memory_space<vmem>>
    %dma_wait3A_314 = tpu.memref_squeeze %dma_wait3A_313 : memref<1x16x1024xf32, #tpu.memory_space<vmem>> -> memref<16x1024xf32, #tpu.memory_space<vmem>>
    tpu.wait_dma2 semaphore(%arg15 : memref<!tpu.dma_semaphore, #tpu.memory_space<semaphore_mem>>) src(%dma_wait3A_314 : memref<16x1024xf32, #tpu.memory_space<vmem>>) dst(%dma_wait3A_310 : memref<16x1024xf32, #tpu.memory_space<hbm>>)
    %add3A_315 = arith.constant 160 : i32
    %add3A_316 = arith.addi %mul3A_2, %add3A_315 : i32
    %dma_start3A_317 = arith.constant 3 : i32
    %dma_start3A_318 = arith.constant 0 : i32
    %dma_start3A_319 = arith.constant 0 : i32
    %dma_start3A_320 = tpu.memref_slice %arg4[%dma_start3A_317, %dma_start3A_318, %dma_start3A_319] : memref<7x16x1024xf32, #tpu.memory_space<vmem>> -> memref<1x16x1024xf32, #tpu.memory_space<vmem>>
    %dma_start3A_321 = tpu.memref_squeeze %dma_start3A_320 : memref<1x16x1024xf32, #tpu.memory_space<vmem>> -> memref<16x1024xf32, #tpu.memory_space<vmem>>
    %dma_start3A_322 = arith.constant 0 : i32
    %dma_start3A_323 = tpu.memref_slice %arg2[%add3A_316, %dma_start3A_322] : memref<8192x1024xf32, #tpu.memory_space<hbm>> -> memref<16x1024xf32, #tpu.memory_space<hbm>>
    %dma_start3A_324 = arith.constant 0 : i32
    %dma_start3A_325 = arith.constant 0 : i32
    %dma_start3A_326 = tpu.memref_slice %arg4[%dma_start3A_317, %dma_start3A_324, %dma_start3A_325] : memref<7x16x1024xf32, #tpu.memory_space<vmem>> -> memref<1x16x1024xf32, #tpu.memory_space<vmem>>
    %dma_start3A_327 = tpu.memref_squeeze %dma_start3A_326 : memref<1x16x1024xf32, #tpu.memory_space<vmem>> -> memref<16x1024xf32, #tpu.memory_space<vmem>>
    %dma_start3A_328 = arith.constant 0 : i32
    %dma_start3A_329 = tpu.memref_slice %arg2[%add3A_316, %dma_start3A_328] : memref<8192x1024xf32, #tpu.memory_space<hbm>> -> memref<16x1024xf32, #tpu.memory_space<hbm>>
    tpu.enqueue_dma source(%dma_start3A_329 : memref<16x1024xf32, #tpu.memory_space<hbm>>) target(%dma_start3A_327 : memref<16x1024xf32, #tpu.memory_space<vmem>>) target_semaphore(%arg8 : memref<!tpu.dma_semaphore, #tpu.memory_space<semaphore_mem>>)
    %dma_wait3A_330 = arith.constant 4 : i32
    %dma_wait3A_331 = arith.constant 0 : i32
    %dma_wait3A_332 = arith.constant 0 : i32
    %dma_wait3A_333 = tpu.memref_slice %arg4[%dma_wait3A_330, %dma_wait3A_331, %dma_wait3A_332] : memref<7x16x1024xf32, #tpu.memory_space<vmem>> -> memref<1x16x1024xf32, #tpu.memory_space<vmem>>
    %dma_wait3A_334 = tpu.memref_squeeze %dma_wait3A_333 : memref<1x16x1024xf32, #tpu.memory_space<vmem>> -> memref<16x1024xf32, #tpu.memory_space<vmem>>
    %dma_wait3A_335 = arith.constant 0 : i32
    %dma_wait3A_336 = tpu.memref_slice %arg2[%add3A_63, %dma_wait3A_335] : memref<8192x1024xf32, #tpu.memory_space<hbm>> -> memref<16x1024xf32, #tpu.memory_space<hbm>>
    %dma_wait3A_337 = arith.constant 0 : i32
    %dma_wait3A_338 = arith.constant 0 : i32
    %dma_wait3A_339 = tpu.memref_slice %arg4[%dma_wait3A_330, %dma_wait3A_337, %dma_wait3A_338] : memref<7x16x1024xf32, #tpu.memory_space<vmem>> -> memref<1x16x1024xf32, #tpu.memory_space<vmem>>
    %dma_wait3A_340 = tpu.memref_squeeze %dma_wait3A_339 : memref<1x16x1024xf32, #tpu.memory_space<vmem>> -> memref<16x1024xf32, #tpu.memory_space<vmem>>
    %dma_wait3A_341 = arith.constant 0 : i32
    %dma_wait3A_342 = tpu.memref_slice %arg2[%add3A_63, %dma_wait3A_341] : memref<8192x1024xf32, #tpu.memory_space<hbm>> -> memref<16x1024xf32, #tpu.memory_space<hbm>>
    tpu.wait_dma2 semaphore(%arg9 : memref<!tpu.dma_semaphore, #tpu.memory_space<semaphore_mem>>) src(%dma_wait3A_342 : memref<16x1024xf32, #tpu.memory_space<hbm>>) dst(%dma_wait3A_340 : memref<16x1024xf32, #tpu.memory_space<vmem>>)
    %add3A_343 = arith.constant 64 : i32
    %add3A_344 = arith.addi %mul3A_2, %add3A_343 : i32
    %dma_start3A_345 = arith.constant 4 : i32
    %dma_start3A_346 = arith.constant 0 : i32
    %dma_start3A_347 = arith.constant 0 : i32
    %dma_start3A_348 = tpu.memref_slice %arg4[%dma_start3A_345, %dma_start3A_346, %dma_start3A_347] : memref<7x16x1024xf32, #tpu.memory_space<vmem>> -> memref<1x16x1024xf32, #tpu.memory_space<vmem>>
    %dma_start3A_349 = tpu.memref_squeeze %dma_start3A_348 : memref<1x16x1024xf32, #tpu.memory_space<vmem>> -> memref<16x1024xf32, #tpu.memory_space<vmem>>
    %dma_start3A_350 = arith.constant 0 : i32
    %dma_start3A_351 = tpu.memref_slice %arg3[%add3A_344, %dma_start3A_350] : memref<8192x1024xf32, #tpu.memory_space<hbm>> -> memref<16x1024xf32, #tpu.memory_space<hbm>>
    %dma_start3A_352 = arith.constant 0 : i32
    %dma_start3A_353 = tpu.memref_slice %arg3[%add3A_344, %dma_start3A_352] : memref<8192x1024xf32, #tpu.memory_space<hbm>> -> memref<16x1024xf32, #tpu.memory_space<hbm>>
    %dma_start3A_354 = arith.constant 0 : i32
    %dma_start3A_355 = arith.constant 0 : i32
    %dma_start3A_356 = tpu.memref_slice %arg4[%dma_start3A_345, %dma_start3A_354, %dma_start3A_355] : memref<7x16x1024xf32, #tpu.memory_space<vmem>> -> memref<1x16x1024xf32, #tpu.memory_space<vmem>>
    %dma_start3A_357 = tpu.memref_squeeze %dma_start3A_356 : memref<1x16x1024xf32, #tpu.memory_space<vmem>> -> memref<16x1024xf32, #tpu.memory_space<vmem>>
    tpu.enqueue_dma source(%dma_start3A_357 : memref<16x1024xf32, #tpu.memory_space<vmem>>) target(%dma_start3A_353 : memref<16x1024xf32, #tpu.memory_space<hbm>>) target_semaphore(%arg16 : memref<!tpu.dma_semaphore, #tpu.memory_space<semaphore_mem>>)
    %dma_wait3A_358 = arith.constant 4 : i32
    %dma_wait3A_359 = arith.constant 0 : i32
    %dma_wait3A_360 = arith.constant 0 : i32
    %dma_wait3A_361 = tpu.memref_slice %arg4[%dma_wait3A_358, %dma_wait3A_359, %dma_wait3A_360] : memref<7x16x1024xf32, #tpu.memory_space<vmem>> -> memref<1x16x1024xf32, #tpu.memory_space<vmem>>
    %dma_wait3A_362 = tpu.memref_squeeze %dma_wait3A_361 : memref<1x16x1024xf32, #tpu.memory_space<vmem>> -> memref<16x1024xf32, #tpu.memory_space<vmem>>
    %dma_wait3A_363 = arith.constant 0 : i32
    %dma_wait3A_364 = tpu.memref_slice %arg3[%add3A_344, %dma_wait3A_363] : memref<8192x1024xf32, #tpu.memory_space<hbm>> -> memref<16x1024xf32, #tpu.memory_space<hbm>>
    %dma_wait3A_365 = arith.constant 0 : i32
    %dma_wait3A_366 = tpu.memref_slice %arg3[%add3A_344, %dma_wait3A_365] : memref<8192x1024xf32, #tpu.memory_space<hbm>> -> memref<16x1024xf32, #tpu.memory_space<hbm>>
    %dma_wait3A_367 = arith.constant 0 : i32
    %dma_wait3A_368 = arith.constant 0 : i32
    %dma_wait3A_369 = tpu.memref_slice %arg4[%dma_wait3A_358, %dma_wait3A_367, %dma_wait3A_368] : memref<7x16x1024xf32, #tpu.memory_space<vmem>> -> memref<1x16x1024xf32, #tpu.memory_space<vmem>>
    %dma_wait3A_370 = tpu.memref_squeeze %dma_wait3A_369 : memref<1x16x1024xf32, #tpu.memory_space<vmem>> -> memref<16x1024xf32, #tpu.memory_space<vmem>>
    tpu.wait_dma2 semaphore(%arg16 : memref<!tpu.dma_semaphore, #tpu.memory_space<semaphore_mem>>) src(%dma_wait3A_370 : memref<16x1024xf32, #tpu.memory_space<vmem>>) dst(%dma_wait3A_366 : memref<16x1024xf32, #tpu.memory_space<hbm>>)
    %add3A_371 = arith.constant 176 : i32
    %add3A_372 = arith.addi %mul3A_2, %add3A_371 : i32
    %dma_start3A_373 = arith.constant 4 : i32
    %dma_start3A_374 = arith.constant 0 : i32
    %dma_start3A_375 = arith.constant 0 : i32
    %dma_start3A_376 = tpu.memref_slice %arg4[%dma_start3A_373, %dma_start3A_374, %dma_start3A_375] : memref<7x16x1024xf32, #tpu.memory_space<vmem>> -> memref<1x16x1024xf32, #tpu.memory_space<vmem>>
    %dma_start3A_377 = tpu.memref_squeeze %dma_start3A_376 : memref<1x16x1024xf32, #tpu.memory_space<vmem>> -> memref<16x1024xf32, #tpu.memory_space<vmem>>
    %dma_start3A_378 = arith.constant 0 : i32
    %dma_start3A_379 = tpu.memref_slice %arg2[%add3A_372, %dma_start3A_378] : memref<8192x1024xf32, #tpu.memory_space<hbm>> -> memref<16x1024xf32, #tpu.memory_space<hbm>>
    %dma_start3A_380 = arith.constant 0 : i32
    %dma_start3A_381 = arith.constant 0 : i32
    %dma_start3A_382 = tpu.memref_slice %arg4[%dma_start3A_373, %dma_start3A_380, %dma_start3A_381] : memref<7x16x1024xf32, #tpu.memory_space<vmem>> -> memref<1x16x1024xf32, #tpu.memory_space<vmem>>
    %dma_start3A_383 = tpu.memref_squeeze %dma_start3A_382 : memref<1x16x1024xf32, #tpu.memory_space<vmem>> -> memref<16x1024xf32, #tpu.memory_space<vmem>>
    %dma_start3A_384 = arith.constant 0 : i32
    %dma_start3A_385 = tpu.memref_slice %arg2[%add3A_372, %dma_start3A_384] : memref<8192x1024xf32, #tpu.memory_space<hbm>> -> memref<16x1024xf32, #tpu.memory_space<hbm>>
    tpu.enqueue_dma source(%dma_start3A_385 : memref<16x1024xf32, #tpu.memory_space<hbm>>) target(%dma_start3A_383 : memref<16x1024xf32, #tpu.memory_space<vmem>>) target_semaphore(%arg9 : memref<!tpu.dma_semaphore, #tpu.memory_space<semaphore_mem>>)
    %dma_wait3A_386 = arith.constant 5 : i32
    %dma_wait3A_387 = arith.constant 0 : i32
    %dma_wait3A_388 = arith.constant 0 : i32
    %dma_wait3A_389 = tpu.memref_slice %arg4[%dma_wait3A_386, %dma_wait3A_387, %dma_wait3A_388] : memref<7x16x1024xf32, #tpu.memory_space<vmem>> -> memref<1x16x1024xf32, #tpu.memory_space<vmem>>
    %dma_wait3A_390 = tpu.memref_squeeze %dma_wait3A_389 : memref<1x16x1024xf32, #tpu.memory_space<vmem>> -> memref<16x1024xf32, #tpu.memory_space<vmem>>
    %dma_wait3A_391 = arith.constant 0 : i32
    %dma_wait3A_392 = tpu.memref_slice %arg2[%add3A_78, %dma_wait3A_391] : memref<8192x1024xf32, #tpu.memory_space<hbm>> -> memref<16x1024xf32, #tpu.memory_space<hbm>>
    %dma_wait3A_393 = arith.constant 0 : i32
    %dma_wait3A_394 = arith.constant 0 : i32
    %dma_wait3A_395 = tpu.memref_slice %arg4[%dma_wait3A_386, %dma_wait3A_393, %dma_wait3A_394] : memref<7x16x1024xf32, #tpu.memory_space<vmem>> -> memref<1x16x1024xf32, #tpu.memory_space<vmem>>
    %dma_wait3A_396 = tpu.memref_squeeze %dma_wait3A_395 : memref<1x16x1024xf32, #tpu.memory_space<vmem>> -> memref<16x1024xf32, #tpu.memory_space<vmem>>
    %dma_wait3A_397 = arith.constant 0 : i32
    %dma_wait3A_398 = tpu.memref_slice %arg2[%add3A_78, %dma_wait3A_397] : memref<8192x1024xf32, #tpu.memory_space<hbm>> -> memref<16x1024xf32, #tpu.memory_space<hbm>>
    tpu.wait_dma2 semaphore(%arg10 : memref<!tpu.dma_semaphore, #tpu.memory_space<semaphore_mem>>) src(%dma_wait3A_398 : memref<16x1024xf32, #tpu.memory_space<hbm>>) dst(%dma_wait3A_396 : memref<16x1024xf32, #tpu.memory_space<vmem>>)
    %add3A_399 = arith.constant 80 : i32
    %add3A_400 = arith.addi %mul3A_2, %add3A_399 : i32
    %dma_start3A_401 = arith.constant 5 : i32
    %dma_start3A_402 = arith.constant 0 : i32
    %dma_start3A_403 = arith.constant 0 : i32
    %dma_start3A_404 = tpu.memref_slice %arg4[%dma_start3A_401, %dma_start3A_402, %dma_start3A_403] : memref<7x16x1024xf32, #tpu.memory_space<vmem>> -> memref<1x16x1024xf32, #tpu.memory_space<vmem>>
    %dma_start3A_405 = tpu.memref_squeeze %dma_start3A_404 : memref<1x16x1024xf32, #tpu.memory_space<vmem>> -> memref<16x1024xf32, #tpu.memory_space<vmem>>
    %dma_start3A_406 = arith.constant 0 : i32
    %dma_start3A_407 = tpu.memref_slice %arg3[%add3A_400, %dma_start3A_406] : memref<8192x1024xf32, #tpu.memory_space<hbm>> -> memref<16x1024xf32, #tpu.memory_space<hbm>>
    %dma_start3A_408 = arith.constant 0 : i32
    %dma_start3A_409 = tpu.memref_slice %arg3[%add3A_400, %dma_start3A_408] : memref<8192x1024xf32, #tpu.memory_space<hbm>> -> memref<16x1024xf32, #tpu.memory_space<hbm>>
    %dma_start3A_410 = arith.constant 0 : i32
    %dma_start3A_411 = arith.constant 0 : i32
    %dma_start3A_412 = tpu.memref_slice %arg4[%dma_start3A_401, %dma_start3A_410, %dma_start3A_411] : memref<7x16x1024xf32, #tpu.memory_space<vmem>> -> memref<1x16x1024xf32, #tpu.memory_space<vmem>>
    %dma_start3A_413 = tpu.memref_squeeze %dma_start3A_412 : memref<1x16x1024xf32, #tpu.memory_space<vmem>> -> memref<16x1024xf32, #tpu.memory_space<vmem>>
    tpu.enqueue_dma source(%dma_start3A_413 : memref<16x1024xf32, #tpu.memory_space<vmem>>) target(%dma_start3A_409 : memref<16x1024xf32, #tpu.memory_space<hbm>>) target_semaphore(%arg17 : memref<!tpu.dma_semaphore, #tpu.memory_space<semaphore_mem>>)
    %dma_wait3A_414 = arith.constant 5 : i32
    %dma_wait3A_415 = arith.constant 0 : i32
    %dma_wait3A_416 = arith.constant 0 : i32
    %dma_wait3A_417 = tpu.memref_slice %arg4[%dma_wait3A_414, %dma_wait3A_415, %dma_wait3A_416] : memref<7x16x1024xf32, #tpu.memory_space<vmem>> -> memref<1x16x1024xf32, #tpu.memory_space<vmem>>
    %dma_wait3A_418 = tpu.memref_squeeze %dma_wait3A_417 : memref<1x16x1024xf32, #tpu.memory_space<vmem>> -> memref<16x1024xf32, #tpu.memory_space<vmem>>
    %dma_wait3A_419 = arith.constant 0 : i32
    %dma_wait3A_420 = tpu.memref_slice %arg3[%add3A_400, %dma_wait3A_419] : memref<8192x1024xf32, #tpu.memory_space<hbm>> -> memref<16x1024xf32, #tpu.memory_space<hbm>>
    %dma_wait3A_421 = arith.constant 0 : i32
    %dma_wait3A_422 = tpu.memref_slice %arg3[%add3A_400, %dma_wait3A_421] : memref<8192x1024xf32, #tpu.memory_space<hbm>> -> memref<16x1024xf32, #tpu.memory_space<hbm>>
    %dma_wait3A_423 = arith.constant 0 : i32
    %dma_wait3A_424 = arith.constant 0 : i32
    %dma_wait3A_425 = tpu.memref_slice %arg4[%dma_wait3A_414, %dma_wait3A_423, %dma_wait3A_424] : memref<7x16x1024xf32, #tpu.memory_space<vmem>> -> memref<1x16x1024xf32, #tpu.memory_space<vmem>>
    %dma_wait3A_426 = tpu.memref_squeeze %dma_wait3A_425 : memref<1x16x1024xf32, #tpu.memory_space<vmem>> -> memref<16x1024xf32, #tpu.memory_space<vmem>>
    tpu.wait_dma2 semaphore(%arg17 : memref<!tpu.dma_semaphore, #tpu.memory_space<semaphore_mem>>) src(%dma_wait3A_426 : memref<16x1024xf32, #tpu.memory_space<vmem>>) dst(%dma_wait3A_422 : memref<16x1024xf32, #tpu.memory_space<hbm>>)
    %add3A_427 = arith.constant 192 : i32
    %add3A_428 = arith.addi %mul3A_2, %add3A_427 : i32
    %dma_start3A_429 = arith.constant 5 : i32
    %dma_start3A_430 = arith.constant 0 : i32
    %dma_start3A_431 = arith.constant 0 : i32
    %dma_start3A_432 = tpu.memref_slice %arg4[%dma_start3A_429, %dma_start3A_430, %dma_start3A_431] : memref<7x16x1024xf32, #tpu.memory_space<vmem>> -> memref<1x16x1024xf32, #tpu.memory_space<vmem>>
    %dma_start3A_433 = tpu.memref_squeeze %dma_start3A_432 : memref<1x16x1024xf32, #tpu.memory_space<vmem>> -> memref<16x1024xf32, #tpu.memory_space<vmem>>
    %dma_start3A_434 = arith.constant 0 : i32
    %dma_start3A_435 = tpu.memref_slice %arg2[%add3A_428, %dma_start3A_434] : memref<8192x1024xf32, #tpu.memory_space<hbm>> -> memref<16x1024xf32, #tpu.memory_space<hbm>>
    %dma_start3A_436 = arith.constant 0 : i32
    %dma_start3A_437 = arith.constant 0 : i32
    %dma_start3A_438 = tpu.memref_slice %arg4[%dma_start3A_429, %dma_start3A_436, %dma_start3A_437] : memref<7x16x1024xf32, #tpu.memory_space<vmem>> -> memref<1x16x1024xf32, #tpu.memory_space<vmem>>
    %dma_start3A_439 = tpu.memref_squeeze %dma_start3A_438 : memref<1x16x1024xf32, #tpu.memory_space<vmem>> -> memref<16x1024xf32, #tpu.memory_space<vmem>>
    %dma_start3A_440 = arith.constant 0 : i32
    %dma_start3A_441 = tpu.memref_slice %arg2[%add3A_428, %dma_start3A_440] : memref<8192x1024xf32, #tpu.memory_space<hbm>> -> memref<16x1024xf32, #tpu.memory_space<hbm>>
    tpu.enqueue_dma source(%dma_start3A_441 : memref<16x1024xf32, #tpu.memory_space<hbm>>) target(%dma_start3A_439 : memref<16x1024xf32, #tpu.memory_space<vmem>>) target_semaphore(%arg10 : memref<!tpu.dma_semaphore, #tpu.memory_space<semaphore_mem>>)
    %dma_wait3A_442 = arith.constant 6 : i32
    %dma_wait3A_443 = arith.constant 0 : i32
    %dma_wait3A_444 = arith.constant 0 : i32
    %dma_wait3A_445 = tpu.memref_slice %arg4[%dma_wait3A_442, %dma_wait3A_443, %dma_wait3A_444] : memref<7x16x1024xf32, #tpu.memory_space<vmem>> -> memref<1x16x1024xf32, #tpu.memory_space<vmem>>
    %dma_wait3A_446 = tpu.memref_squeeze %dma_wait3A_445 : memref<1x16x1024xf32, #tpu.memory_space<vmem>> -> memref<16x1024xf32, #tpu.memory_space<vmem>>
    %dma_wait3A_447 = arith.constant 0 : i32
    %dma_wait3A_448 = tpu.memref_slice %arg2[%add3A_93, %dma_wait3A_447] : memref<8192x1024xf32, #tpu.memory_space<hbm>> -> memref<16x1024xf32, #tpu.memory_space<hbm>>
    %dma_wait3A_449 = arith.constant 0 : i32
    %dma_wait3A_450 = arith.constant 0 : i32
    %dma_wait3A_451 = tpu.memref_slice %arg4[%dma_wait3A_442, %dma_wait3A_449, %dma_wait3A_450] : memref<7x16x1024xf32, #tpu.memory_space<vmem>> -> memref<1x16x1024xf32, #tpu.memory_space<vmem>>
    %dma_wait3A_452 = tpu.memref_squeeze %dma_wait3A_451 : memref<1x16x1024xf32, #tpu.memory_space<vmem>> -> memref<16x1024xf32, #tpu.memory_space<vmem>>
    %dma_wait3A_453 = arith.constant 0 : i32
    %dma_wait3A_454 = tpu.memref_slice %arg2[%add3A_93, %dma_wait3A_453] : memref<8192x1024xf32, #tpu.memory_space<hbm>> -> memref<16x1024xf32, #tpu.memory_space<hbm>>
    tpu.wait_dma2 semaphore(%arg11 : memref<!tpu.dma_semaphore, #tpu.memory_space<semaphore_mem>>) src(%dma_wait3A_454 : memref<16x1024xf32, #tpu.memory_space<hbm>>) dst(%dma_wait3A_452 : memref<16x1024xf32, #tpu.memory_space<vmem>>)
    %add3A_455 = arith.constant 96 : i32
    %add3A_456 = arith.addi %mul3A_2, %add3A_455 : i32
    %dma_start3A_457 = arith.constant 6 : i32
    %dma_start3A_458 = arith.constant 0 : i32
    %dma_start3A_459 = arith.constant 0 : i32
    %dma_start3A_460 = tpu.memref_slice %arg4[%dma_start3A_457, %dma_start3A_458, %dma_start3A_459] : memref<7x16x1024xf32, #tpu.memory_space<vmem>> -> memref<1x16x1024xf32, #tpu.memory_space<vmem>>
    %dma_start3A_461 = tpu.memref_squeeze %dma_start3A_460 : memref<1x16x1024xf32, #tpu.memory_space<vmem>> -> memref<16x1024xf32, #tpu.memory_space<vmem>>
    %dma_start3A_462 = arith.constant 0 : i32
    %dma_start3A_463 = tpu.memref_slice %arg3[%add3A_456, %dma_start3A_462] : memref<8192x1024xf32, #tpu.memory_space<hbm>> -> memref<16x1024xf32, #tpu.memory_space<hbm>>
    %dma_start3A_464 = arith.constant 0 : i32
    %dma_start3A_465 = tpu.memref_slice %arg3[%add3A_456, %dma_start3A_464] : memref<8192x1024xf32, #tpu.memory_space<hbm>> -> memref<16x1024xf32, #tpu.memory_space<hbm>>
    %dma_start3A_466 = arith.constant 0 : i32
    %dma_start3A_467 = arith.constant 0 : i32
    %dma_start3A_468 = tpu.memref_slice %arg4[%dma_start3A_457, %dma_start3A_466, %dma_start3A_467] : memref<7x16x1024xf32, #tpu.memory_space<vmem>> -> memref<1x16x1024xf32, #tpu.memory_space<vmem>>
    %dma_start3A_469 = tpu.memref_squeeze %dma_start3A_468 : memref<1x16x1024xf32, #tpu.memory_space<vmem>> -> memref<16x1024xf32, #tpu.memory_space<vmem>>
    tpu.enqueue_dma source(%dma_start3A_469 : memref<16x1024xf32, #tpu.memory_space<vmem>>) target(%dma_start3A_465 : memref<16x1024xf32, #tpu.memory_space<hbm>>) target_semaphore(%arg18 : memref<!tpu.dma_semaphore, #tpu.memory_space<semaphore_mem>>)
    %dma_wait3A_470 = arith.constant 6 : i32
    %dma_wait3A_471 = arith.constant 0 : i32
    %dma_wait3A_472 = arith.constant 0 : i32
    %dma_wait3A_473 = tpu.memref_slice %arg4[%dma_wait3A_470, %dma_wait3A_471, %dma_wait3A_472] : memref<7x16x1024xf32, #tpu.memory_space<vmem>> -> memref<1x16x1024xf32, #tpu.memory_space<vmem>>
    %dma_wait3A_474 = tpu.memref_squeeze %dma_wait3A_473 : memref<1x16x1024xf32, #tpu.memory_space<vmem>> -> memref<16x1024xf32, #tpu.memory_space<vmem>>
    %dma_wait3A_475 = arith.constant 0 : i32
    %dma_wait3A_476 = tpu.memref_slice %arg3[%add3A_456, %dma_wait3A_475] : memref<8192x1024xf32, #tpu.memory_space<hbm>> -> memref<16x1024xf32, #tpu.memory_space<hbm>>
    %dma_wait3A_477 = arith.constant 0 : i32
    %dma_wait3A_478 = tpu.memref_slice %arg3[%add3A_456, %dma_wait3A_477] : memref<8192x1024xf32, #tpu.memory_space<hbm>> -> memref<16x1024xf32, #tpu.memory_space<hbm>>
    %dma_wait3A_479 = arith.constant 0 : i32
    %dma_wait3A_480 = arith.constant 0 : i32
    %dma_wait3A_481 = tpu.memref_slice %arg4[%dma_wait3A_470, %dma_wait3A_479, %dma_wait3A_480] : memref<7x16x1024xf32, #tpu.memory_space<vmem>> -> memref<1x16x1024xf32, #tpu.memory_space<vmem>>
    %dma_wait3A_482 = tpu.memref_squeeze %dma_wait3A_481 : memref<1x16x1024xf32, #tpu.memory_space<vmem>> -> memref<16x1024xf32, #tpu.memory_space<vmem>>
    tpu.wait_dma2 semaphore(%arg18 : memref<!tpu.dma_semaphore, #tpu.memory_space<semaphore_mem>>) src(%dma_wait3A_482 : memref<16x1024xf32, #tpu.memory_space<vmem>>) dst(%dma_wait3A_478 : memref<16x1024xf32, #tpu.memory_space<hbm>>)
    %add3A_483 = arith.constant 208 : i32
    %add3A_484 = arith.addi %mul3A_2, %add3A_483 : i32
    %dma_start3A_485 = arith.constant 6 : i32
    %dma_start3A_486 = arith.constant 0 : i32
    %dma_start3A_487 = arith.constant 0 : i32
    %dma_start3A_488 = tpu.memref_slice %arg4[%dma_start3A_485, %dma_start3A_486, %dma_start3A_487] : memref<7x16x1024xf32, #tpu.memory_space<vmem>> -> memref<1x16x1024xf32, #tpu.memory_space<vmem>>
    %dma_start3A_489 = tpu.memref_squeeze %dma_start3A_488 : memref<1x16x1024xf32, #tpu.memory_space<vmem>> -> memref<16x1024xf32, #tpu.memory_space<vmem>>
    %dma_start3A_490 = arith.constant 0 : i32
    %dma_start3A_491 = tpu.memref_slice %arg2[%add3A_484, %dma_start3A_490] : memref<8192x1024xf32, #tpu.memory_space<hbm>> -> memref<16x1024xf32, #tpu.memory_space<hbm>>
    %dma_start3A_492 = arith.constant 0 : i32
    %dma_start3A_493 = arith.constant 0 : i32
    %dma_start3A_494 = tpu.memref_slice %arg4[%dma_start3A_485, %dma_start3A_492, %dma_start3A_493] : memref<7x16x1024xf32, #tpu.memory_space<vmem>> -> memref<1x16x1024xf32, #tpu.memory_space<vmem>>
    %dma_start3A_495 = tpu.memref_squeeze %dma_start3A_494 : memref<1x16x1024xf32, #tpu.memory_space<vmem>> -> memref<16x1024xf32, #tpu.memory_space<vmem>>
    %dma_start3A_496 = arith.constant 0 : i32
    %dma_start3A_497 = tpu.memref_slice %arg2[%add3A_484, %dma_start3A_496] : memref<8192x1024xf32, #tpu.memory_space<hbm>> -> memref<16x1024xf32, #tpu.memory_space<hbm>>
    tpu.enqueue_dma source(%dma_start3A_497 : memref<16x1024xf32, #tpu.memory_space<hbm>>) target(%dma_start3A_495 : memref<16x1024xf32, #tpu.memory_space<vmem>>) target_semaphore(%arg11 : memref<!tpu.dma_semaphore, #tpu.memory_space<semaphore_mem>>)
    %dma_wait3A_498 = arith.constant 0 : i32
    %dma_wait3A_499 = arith.constant 0 : i32
    %dma_wait3A_500 = arith.constant 0 : i32
    %dma_wait3A_501 = tpu.memref_slice %arg4[%dma_wait3A_498, %dma_wait3A_499, %dma_wait3A_500] : memref<7x16x1024xf32, #tpu.memory_space<vmem>> -> memref<1x16x1024xf32, #tpu.memory_space<vmem>>
    %dma_wait3A_502 = tpu.memref_squeeze %dma_wait3A_501 : memref<1x16x1024xf32, #tpu.memory_space<vmem>> -> memref<16x1024xf32, #tpu.memory_space<vmem>>
    %dma_wait3A_503 = arith.constant 0 : i32
    %dma_wait3A_504 = tpu.memref_slice %arg2[%add3A_148, %dma_wait3A_503] : memref<8192x1024xf32, #tpu.memory_space<hbm>> -> memref<16x1024xf32, #tpu.memory_space<hbm>>
    %dma_wait3A_505 = arith.constant 0 : i32
    %dma_wait3A_506 = arith.constant 0 : i32
    %dma_wait3A_507 = tpu.memref_slice %arg4[%dma_wait3A_498, %dma_wait3A_505, %dma_wait3A_506] : memref<7x16x1024xf32, #tpu.memory_space<vmem>> -> memref<1x16x1024xf32, #tpu.memory_space<vmem>>
    %dma_wait3A_508 = tpu.memref_squeeze %dma_wait3A_507 : memref<1x16x1024xf32, #tpu.memory_space<vmem>> -> memref<16x1024xf32, #tpu.memory_space<vmem>>
    %dma_wait3A_509 = arith.constant 0 : i32
    %dma_wait3A_510 = tpu.memref_slice %arg2[%add3A_148, %dma_wait3A_509] : memref<8192x1024xf32, #tpu.memory_space<hbm>> -> memref<16x1024xf32, #tpu.memory_space<hbm>>
    tpu.wait_dma2 semaphore(%arg5 : memref<!tpu.dma_semaphore, #tpu.memory_space<semaphore_mem>>) src(%dma_wait3A_510 : memref<16x1024xf32, #tpu.memory_space<hbm>>) dst(%dma_wait3A_508 : memref<16x1024xf32, #tpu.memory_space<vmem>>)
    %add3A_511 = arith.constant 112 : i32
    %add3A_512 = arith.addi %mul3A_2, %add3A_511 : i32
    %dma_start3A_513 = arith.constant 0 : i32
    %dma_start3A_514 = arith.constant 0 : i32
    %dma_start3A_515 = arith.constant 0 : i32
    %dma_start3A_516 = tpu.memref_slice %arg4[%dma_start3A_513, %dma_start3A_514, %dma_start3A_515] : memref<7x16x1024xf32, #tpu.memory_space<vmem>> -> memref<1x16x1024xf32, #tpu.memory_space<vmem>>
    %dma_start3A_517 = tpu.memref_squeeze %dma_start3A_516 : memref<1x16x1024xf32, #tpu.memory_space<vmem>> -> memref<16x1024xf32, #tpu.memory_space<vmem>>
    %dma_start3A_518 = arith.constant 0 : i32
    %dma_start3A_519 = tpu.memref_slice %arg3[%add3A_512, %dma_start3A_518] : memref<8192x1024xf32, #tpu.memory_space<hbm>> -> memref<16x1024xf32, #tpu.memory_space<hbm>>
    %dma_start3A_520 = arith.constant 0 : i32
    %dma_start3A_521 = tpu.memref_slice %arg3[%add3A_512, %dma_start3A_520] : memref<8192x1024xf32, #tpu.memory_space<hbm>> -> memref<16x1024xf32, #tpu.memory_space<hbm>>
    %dma_start3A_522 = arith.constant 0 : i32
    %dma_start3A_523 = arith.constant 0 : i32
    %dma_start3A_524 = tpu.memref_slice %arg4[%dma_start3A_513, %dma_start3A_522, %dma_start3A_523] : memref<7x16x1024xf32, #tpu.memory_space<vmem>> -> memref<1x16x1024xf32, #tpu.memory_space<vmem>>
    %dma_start3A_525 = tpu.memref_squeeze %dma_start3A_524 : memref<1x16x1024xf32, #tpu.memory_space<vmem>> -> memref<16x1024xf32, #tpu.memory_space<vmem>>
    tpu.enqueue_dma source(%dma_start3A_525 : memref<16x1024xf32, #tpu.memory_space<vmem>>) target(%dma_start3A_521 : memref<16x1024xf32, #tpu.memory_space<hbm>>) target_semaphore(%arg12 : memref<!tpu.dma_semaphore, #tpu.memory_space<semaphore_mem>>)
    %dma_wait3A_526 = arith.constant 0 : i32
    %dma_wait3A_527 = arith.constant 0 : i32
    %dma_wait3A_528 = arith.constant 0 : i32
    %dma_wait3A_529 = tpu.memref_slice %arg4[%dma_wait3A_526, %dma_wait3A_527, %dma_wait3A_528] : memref<7x16x1024xf32, #tpu.memory_space<vmem>> -> memref<1x16x1024xf32, #tpu.memory_space<vmem>>
    %dma_wait3A_530 = tpu.memref_squeeze %dma_wait3A_529 : memref<1x16x1024xf32, #tpu.memory_space<vmem>> -> memref<16x1024xf32, #tpu.memory_space<vmem>>
    %dma_wait3A_531 = arith.constant 0 : i32
    %dma_wait3A_532 = tpu.memref_slice %arg3[%add3A_512, %dma_wait3A_531] : memref<8192x1024xf32, #tpu.memory_space<hbm>> -> memref<16x1024xf32, #tpu.memory_space<hbm>>
    %dma_wait3A_533 = arith.constant 0 : i32
    %dma_wait3A_534 = tpu.memref_slice %arg3[%add3A_512, %dma_wait3A_533] : memref<8192x1024xf32, #tpu.memory_space<hbm>> -> memref<16x1024xf32, #tpu.memory_space<hbm>>
    %dma_wait3A_535 = arith.constant 0 : i32
    %dma_wait3A_536 = arith.constant 0 : i32
    %dma_wait3A_537 = tpu.memref_slice %arg4[%dma_wait3A_526, %dma_wait3A_535, %dma_wait3A_536] : memref<7x16x1024xf32, #tpu.memory_space<vmem>> -> memref<1x16x1024xf32, #tpu.memory_space<vmem>>
    %dma_wait3A_538 = tpu.memref_squeeze %dma_wait3A_537 : memref<1x16x1024xf32, #tpu.memory_space<vmem>> -> memref<16x1024xf32, #tpu.memory_space<vmem>>
    tpu.wait_dma2 semaphore(%arg12 : memref<!tpu.dma_semaphore, #tpu.memory_space<semaphore_mem>>) src(%dma_wait3A_538 : memref<16x1024xf32, #tpu.memory_space<vmem>>) dst(%dma_wait3A_534 : memref<16x1024xf32, #tpu.memory_space<hbm>>)
    %add3A_539 = arith.constant 224 : i32
    %add3A_540 = arith.addi %mul3A_2, %add3A_539 : i32
    %dma_start3A_541 = arith.constant 0 : i32
    %dma_start3A_542 = arith.constant 0 : i32
    %dma_start3A_543 = arith.constant 0 : i32
    %dma_start3A_544 = tpu.memref_slice %arg4[%dma_start3A_541, %dma_start3A_542, %dma_start3A_543] : memref<7x16x1024xf32, #tpu.memory_space<vmem>> -> memref<1x16x1024xf32, #tpu.memory_space<vmem>>
    %dma_start3A_545 = tpu.memref_squeeze %dma_start3A_544 : memref<1x16x1024xf32, #tpu.memory_space<vmem>> -> memref<16x1024xf32, #tpu.memory_space<vmem>>
    %dma_start3A_546 = arith.constant 0 : i32
    %dma_start3A_547 = tpu.memref_slice %arg2[%add3A_540, %dma_start3A_546] : memref<8192x1024xf32, #tpu.memory_space<hbm>> -> memref<16x1024xf32, #tpu.memory_space<hbm>>
    %dma_start3A_548 = arith.constant 0 : i32
    %dma_start3A_549 = arith.constant 0 : i32
    %dma_start3A_550 = tpu.memref_slice %arg4[%dma_start3A_541, %dma_start3A_548, %dma_start3A_549] : memref<7x16x1024xf32, #tpu.memory_space<vmem>> -> memref<1x16x1024xf32, #tpu.memory_space<vmem>>
    %dma_start3A_551 = tpu.memref_squeeze %dma_start3A_550 : memref<1x16x1024xf32, #tpu.memory_space<vmem>> -> memref<16x1024xf32, #tpu.memory_space<vmem>>
    %dma_start3A_552 = arith.constant 0 : i32
    %dma_start3A_553 = tpu.memref_slice %arg2[%add3A_540, %dma_start3A_552] : memref<8192x1024xf32, #tpu.memory_space<hbm>> -> memref<16x1024xf32, #tpu.memory_space<hbm>>
    tpu.enqueue_dma source(%dma_start3A_553 : memref<16x1024xf32, #tpu.memory_space<hbm>>) target(%dma_start3A_551 : memref<16x1024xf32, #tpu.memory_space<vmem>>) target_semaphore(%arg5 : memref<!tpu.dma_semaphore, #tpu.memory_space<semaphore_mem>>)
    %dma_wait3A_554 = arith.constant 1 : i32
    %dma_wait3A_555 = arith.constant 0 : i32
    %dma_wait3A_556 = arith.constant 0 : i32
    %dma_wait3A_557 = tpu.memref_slice %arg4[%dma_wait3A_554, %dma_wait3A_555, %dma_wait3A_556] : memref<7x16x1024xf32, #tpu.memory_space<vmem>> -> memref<1x16x1024xf32, #tpu.memory_space<vmem>>
    %dma_wait3A_558 = tpu.memref_squeeze %dma_wait3A_557 : memref<1x16x1024xf32, #tpu.memory_space<vmem>> -> memref<16x1024xf32, #tpu.memory_space<vmem>>
    %dma_wait3A_559 = arith.constant 0 : i32
    %dma_wait3A_560 = tpu.memref_slice %arg2[%add3A_204, %dma_wait3A_559] : memref<8192x1024xf32, #tpu.memory_space<hbm>> -> memref<16x1024xf32, #tpu.memory_space<hbm>>
    %dma_wait3A_561 = arith.constant 0 : i32
    %dma_wait3A_562 = arith.constant 0 : i32
    %dma_wait3A_563 = tpu.memref_slice %arg4[%dma_wait3A_554, %dma_wait3A_561, %dma_wait3A_562] : memref<7x16x1024xf32, #tpu.memory_space<vmem>> -> memref<1x16x1024xf32, #tpu.memory_space<vmem>>
    %dma_wait3A_564 = tpu.memref_squeeze %dma_wait3A_563 : memref<1x16x1024xf32, #tpu.memory_space<vmem>> -> memref<16x1024xf32, #tpu.memory_space<vmem>>
    %dma_wait3A_565 = arith.constant 0 : i32
    %dma_wait3A_566 = tpu.memref_slice %arg2[%add3A_204, %dma_wait3A_565] : memref<8192x1024xf32, #tpu.memory_space<hbm>> -> memref<16x1024xf32, #tpu.memory_space<hbm>>
    tpu.wait_dma2 semaphore(%arg6 : memref<!tpu.dma_semaphore, #tpu.memory_space<semaphore_mem>>) src(%dma_wait3A_566 : memref<16x1024xf32, #tpu.memory_space<hbm>>) dst(%dma_wait3A_564 : memref<16x1024xf32, #tpu.memory_space<vmem>>)
    %add3A_567 = arith.constant 128 : i32
    %add3A_568 = arith.addi %mul3A_2, %add3A_567 : i32
    %dma_start3A_569 = arith.constant 1 : i32
    %dma_start3A_570 = arith.constant 0 : i32
    %dma_start3A_571 = arith.constant 0 : i32
    %dma_start3A_572 = tpu.memref_slice %arg4[%dma_start3A_569, %dma_start3A_570, %dma_start3A_571] : memref<7x16x1024xf32, #tpu.memory_space<vmem>> -> memref<1x16x1024xf32, #tpu.memory_space<vmem>>
    %dma_start3A_573 = tpu.memref_squeeze %dma_start3A_572 : memref<1x16x1024xf32, #tpu.memory_space<vmem>> -> memref<16x1024xf32, #tpu.memory_space<vmem>>
    %dma_start3A_574 = arith.constant 0 : i32
    %dma_start3A_575 = tpu.memref_slice %arg3[%add3A_568, %dma_start3A_574] : memref<8192x1024xf32, #tpu.memory_space<hbm>> -> memref<16x1024xf32, #tpu.memory_space<hbm>>
    %dma_start3A_576 = arith.constant 0 : i32
    %dma_start3A_577 = tpu.memref_slice %arg3[%add3A_568, %dma_start3A_576] : memref<8192x1024xf32, #tpu.memory_space<hbm>> -> memref<16x1024xf32, #tpu.memory_space<hbm>>
    %dma_start3A_578 = arith.constant 0 : i32
    %dma_start3A_579 = arith.constant 0 : i32
    %dma_start3A_580 = tpu.memref_slice %arg4[%dma_start3A_569, %dma_start3A_578, %dma_start3A_579] : memref<7x16x1024xf32, #tpu.memory_space<vmem>> -> memref<1x16x1024xf32, #tpu.memory_space<vmem>>
    %dma_start3A_581 = tpu.memref_squeeze %dma_start3A_580 : memref<1x16x1024xf32, #tpu.memory_space<vmem>> -> memref<16x1024xf32, #tpu.memory_space<vmem>>
    tpu.enqueue_dma source(%dma_start3A_581 : memref<16x1024xf32, #tpu.memory_space<vmem>>) target(%dma_start3A_577 : memref<16x1024xf32, #tpu.memory_space<hbm>>) target_semaphore(%arg13 : memref<!tpu.dma_semaphore, #tpu.memory_space<semaphore_mem>>)
    %dma_wait3A_582 = arith.constant 1 : i32
    %dma_wait3A_583 = arith.constant 0 : i32
    %dma_wait3A_584 = arith.constant 0 : i32
    %dma_wait3A_585 = tpu.memref_slice %arg4[%dma_wait3A_582, %dma_wait3A_583, %dma_wait3A_584] : memref<7x16x1024xf32, #tpu.memory_space<vmem>> -> memref<1x16x1024xf32, #tpu.memory_space<vmem>>
    %dma_wait3A_586 = tpu.memref_squeeze %dma_wait3A_585 : memref<1x16x1024xf32, #tpu.memory_space<vmem>> -> memref<16x1024xf32, #tpu.memory_space<vmem>>
    %dma_wait3A_587 = arith.constant 0 : i32
    %dma_wait3A_588 = tpu.memref_slice %arg3[%add3A_568, %dma_wait3A_587] : memref<8192x1024xf32, #tpu.memory_space<hbm>> -> memref<16x1024xf32, #tpu.memory_space<hbm>>
    %dma_wait3A_589 = arith.constant 0 : i32
    %dma_wait3A_590 = tpu.memref_slice %arg3[%add3A_568, %dma_wait3A_589] : memref<8192x1024xf32, #tpu.memory_space<hbm>> -> memref<16x1024xf32, #tpu.memory_space<hbm>>
    %dma_wait3A_591 = arith.constant 0 : i32
    %dma_wait3A_592 = arith.constant 0 : i32
    %dma_wait3A_593 = tpu.memref_slice %arg4[%dma_wait3A_582, %dma_wait3A_591, %dma_wait3A_592] : memref<7x16x1024xf32, #tpu.memory_space<vmem>> -> memref<1x16x1024xf32, #tpu.memory_space<vmem>>
    %dma_wait3A_594 = tpu.memref_squeeze %dma_wait3A_593 : memref<1x16x1024xf32, #tpu.memory_space<vmem>> -> memref<16x1024xf32, #tpu.memory_space<vmem>>
    tpu.wait_dma2 semaphore(%arg13 : memref<!tpu.dma_semaphore, #tpu.memory_space<semaphore_mem>>) src(%dma_wait3A_594 : memref<16x1024xf32, #tpu.memory_space<vmem>>) dst(%dma_wait3A_590 : memref<16x1024xf32, #tpu.memory_space<hbm>>)
    %add3A_595 = arith.constant 240 : i32
    %add3A_596 = arith.addi %mul3A_2, %add3A_595 : i32
    %dma_start3A_597 = arith.constant 1 : i32
    %dma_start3A_598 = arith.constant 0 : i32
    %dma_start3A_599 = arith.constant 0 : i32
    %dma_start3A_600 = tpu.memref_slice %arg4[%dma_start3A_597, %dma_start3A_598, %dma_start3A_599] : memref<7x16x1024xf32, #tpu.memory_space<vmem>> -> memref<1x16x1024xf32, #tpu.memory_space<vmem>>
    %dma_start3A_601 = tpu.memref_squeeze %dma_start3A_600 : memref<1x16x1024xf32, #tpu.memory_space<vmem>> -> memref<16x1024xf32, #tpu.memory_space<vmem>>
    %dma_start3A_602 = arith.constant 0 : i32
    %dma_start3A_603 = tpu.memref_slice %arg2[%add3A_596, %dma_start3A_602] : memref<8192x1024xf32, #tpu.memory_space<hbm>> -> memref<16x1024xf32, #tpu.memory_space<hbm>>
    %dma_start3A_604 = arith.constant 0 : i32
    %dma_start3A_605 = arith.constant 0 : i32
    %dma_start3A_606 = tpu.memref_slice %arg4[%dma_start3A_597, %dma_start3A_604, %dma_start3A_605] : memref<7x16x1024xf32, #tpu.memory_space<vmem>> -> memref<1x16x1024xf32, #tpu.memory_space<vmem>>
    %dma_start3A_607 = tpu.memref_squeeze %dma_start3A_606 : memref<1x16x1024xf32, #tpu.memory_space<vmem>> -> memref<16x1024xf32, #tpu.memory_space<vmem>>
    %dma_start3A_608 = arith.constant 0 : i32
    %dma_start3A_609 = tpu.memref_slice %arg2[%add3A_596, %dma_start3A_608] : memref<8192x1024xf32, #tpu.memory_space<hbm>> -> memref<16x1024xf32, #tpu.memory_space<hbm>>
    tpu.enqueue_dma source(%dma_start3A_609 : memref<16x1024xf32, #tpu.memory_space<hbm>>) target(%dma_start3A_607 : memref<16x1024xf32, #tpu.memory_space<vmem>>) target_semaphore(%arg6 : memref<!tpu.dma_semaphore, #tpu.memory_space<semaphore_mem>>)
    %dma_wait3A_610 = arith.constant 2 : i32
    %dma_wait3A_611 = arith.constant 0 : i32
    %dma_wait3A_612 = arith.constant 0 : i32
    %dma_wait3A_613 = tpu.memref_slice %arg4[%dma_wait3A_610, %dma_wait3A_611, %dma_wait3A_612] : memref<7x16x1024xf32, #tpu.memory_space<vmem>> -> memref<1x16x1024xf32, #tpu.memory_space<vmem>>
    %dma_wait3A_614 = tpu.memref_squeeze %dma_wait3A_613 : memref<1x16x1024xf32, #tpu.memory_space<vmem>> -> memref<16x1024xf32, #tpu.memory_space<vmem>>
    %dma_wait3A_615 = arith.constant 0 : i32
    %dma_wait3A_616 = tpu.memref_slice %arg2[%add3A_260, %dma_wait3A_615] : memref<8192x1024xf32, #tpu.memory_space<hbm>> -> memref<16x1024xf32, #tpu.memory_space<hbm>>
    %dma_wait3A_617 = arith.constant 0 : i32
    %dma_wait3A_618 = arith.constant 0 : i32
    %dma_wait3A_619 = tpu.memref_slice %arg4[%dma_wait3A_610, %dma_wait3A_617, %dma_wait3A_618] : memref<7x16x1024xf32, #tpu.memory_space<vmem>> -> memref<1x16x1024xf32, #tpu.memory_space<vmem>>
    %dma_wait3A_620 = tpu.memref_squeeze %dma_wait3A_619 : memref<1x16x1024xf32, #tpu.memory_space<vmem>> -> memref<16x1024xf32, #tpu.memory_space<vmem>>
    %dma_wait3A_621 = arith.constant 0 : i32
    %dma_wait3A_622 = tpu.memref_slice %arg2[%add3A_260, %dma_wait3A_621] : memref<8192x1024xf32, #tpu.memory_space<hbm>> -> memref<16x1024xf32, #tpu.memory_space<hbm>>
    tpu.wait_dma2 semaphore(%arg7 : memref<!tpu.dma_semaphore, #tpu.memory_space<semaphore_mem>>) src(%dma_wait3A_622 : memref<16x1024xf32, #tpu.memory_space<hbm>>) dst(%dma_wait3A_620 : memref<16x1024xf32, #tpu.memory_space<vmem>>)
    %add3A_623 = arith.constant 144 : i32
    %add3A_624 = arith.addi %mul3A_2, %add3A_623 : i32
    %dma_start3A_625 = arith.constant 2 : i32
    %dma_start3A_626 = arith.constant 0 : i32
    %dma_start3A_627 = arith.constant 0 : i32
    %dma_start3A_628 = tpu.memref_slice %arg4[%dma_start3A_625, %dma_start3A_626, %dma_start3A_627] : memref<7x16x1024xf32, #tpu.memory_space<vmem>> -> memref<1x16x1024xf32, #tpu.memory_space<vmem>>
    %dma_start3A_629 = tpu.memref_squeeze %dma_start3A_628 : memref<1x16x1024xf32, #tpu.memory_space<vmem>> -> memref<16x1024xf32, #tpu.memory_space<vmem>>
    %dma_start3A_630 = arith.constant 0 : i32
    %dma_start3A_631 = tpu.memref_slice %arg3[%add3A_624, %dma_start3A_630] : memref<8192x1024xf32, #tpu.memory_space<hbm>> -> memref<16x1024xf32, #tpu.memory_space<hbm>>
    %dma_start3A_632 = arith.constant 0 : i32
    %dma_start3A_633 = tpu.memref_slice %arg3[%add3A_624, %dma_start3A_632] : memref<8192x1024xf32, #tpu.memory_space<hbm>> -> memref<16x1024xf32, #tpu.memory_space<hbm>>
    %dma_start3A_634 = arith.constant 0 : i32
    %dma_start3A_635 = arith.constant 0 : i32
    %dma_start3A_636 = tpu.memref_slice %arg4[%dma_start3A_625, %dma_start3A_634, %dma_start3A_635] : memref<7x16x1024xf32, #tpu.memory_space<vmem>> -> memref<1x16x1024xf32, #tpu.memory_space<vmem>>
    %dma_start3A_637 = tpu.memref_squeeze %dma_start3A_636 : memref<1x16x1024xf32, #tpu.memory_space<vmem>> -> memref<16x1024xf32, #tpu.memory_space<vmem>>
    tpu.enqueue_dma source(%dma_start3A_637 : memref<16x1024xf32, #tpu.memory_space<vmem>>) target(%dma_start3A_633 : memref<16x1024xf32, #tpu.memory_space<hbm>>) target_semaphore(%arg14 : memref<!tpu.dma_semaphore, #tpu.memory_space<semaphore_mem>>)
    %dma_wait3A_638 = arith.constant 3 : i32
    %dma_wait3A_639 = arith.constant 0 : i32
    %dma_wait3A_640 = arith.constant 0 : i32
    %dma_wait3A_641 = tpu.memref_slice %arg4[%dma_wait3A_638, %dma_wait3A_639, %dma_wait3A_640] : memref<7x16x1024xf32, #tpu.memory_space<vmem>> -> memref<1x16x1024xf32, #tpu.memory_space<vmem>>
    %dma_wait3A_642 = tpu.memref_squeeze %dma_wait3A_641 : memref<1x16x1024xf32, #tpu.memory_space<vmem>> -> memref<16x1024xf32, #tpu.memory_space<vmem>>
    %dma_wait3A_643 = arith.constant 0 : i32
    %dma_wait3A_644 = tpu.memref_slice %arg2[%add3A_316, %dma_wait3A_643] : memref<8192x1024xf32, #tpu.memory_space<hbm>> -> memref<16x1024xf32, #tpu.memory_space<hbm>>
    %dma_wait3A_645 = arith.constant 0 : i32
    %dma_wait3A_646 = arith.constant 0 : i32
    %dma_wait3A_647 = tpu.memref_slice %arg4[%dma_wait3A_638, %dma_wait3A_645, %dma_wait3A_646] : memref<7x16x1024xf32, #tpu.memory_space<vmem>> -> memref<1x16x1024xf32, #tpu.memory_space<vmem>>
    %dma_wait3A_648 = tpu.memref_squeeze %dma_wait3A_647 : memref<1x16x1024xf32, #tpu.memory_space<vmem>> -> memref<16x1024xf32, #tpu.memory_space<vmem>>
    %dma_wait3A_649 = arith.constant 0 : i32
    %dma_wait3A_650 = tpu.memref_slice %arg2[%add3A_316, %dma_wait3A_649] : memref<8192x1024xf32, #tpu.memory_space<hbm>> -> memref<16x1024xf32, #tpu.memory_space<hbm>>
    tpu.wait_dma2 semaphore(%arg8 : memref<!tpu.dma_semaphore, #tpu.memory_space<semaphore_mem>>) src(%dma_wait3A_650 : memref<16x1024xf32, #tpu.memory_space<hbm>>) dst(%dma_wait3A_648 : memref<16x1024xf32, #tpu.memory_space<vmem>>)
    %add3A_651 = arith.constant 160 : i32
    %add3A_652 = arith.addi %mul3A_2, %add3A_651 : i32
    %dma_start3A_653 = arith.constant 3 : i32
    %dma_start3A_654 = arith.constant 0 : i32
    %dma_start3A_655 = arith.constant 0 : i32
    %dma_start3A_656 = tpu.memref_slice %arg4[%dma_start3A_653, %dma_start3A_654, %dma_start3A_655] : memref<7x16x1024xf32, #tpu.memory_space<vmem>> -> memref<1x16x1024xf32, #tpu.memory_space<vmem>>
    %dma_start3A_657 = tpu.memref_squeeze %dma_start3A_656 : memref<1x16x1024xf32, #tpu.memory_space<vmem>> -> memref<16x1024xf32, #tpu.memory_space<vmem>>
    %dma_start3A_658 = arith.constant 0 : i32
    %dma_start3A_659 = tpu.memref_slice %arg3[%add3A_652, %dma_start3A_658] : memref<8192x1024xf32, #tpu.memory_space<hbm>> -> memref<16x1024xf32, #tpu.memory_space<hbm>>
    %dma_start3A_660 = arith.constant 0 : i32
    %dma_start3A_661 = tpu.memref_slice %arg3[%add3A_652, %dma_start3A_660] : memref<8192x1024xf32, #tpu.memory_space<hbm>> -> memref<16x1024xf32, #tpu.memory_space<hbm>>
    %dma_start3A_662 = arith.constant 0 : i32
    %dma_start3A_663 = arith.constant 0 : i32
    %dma_start3A_664 = tpu.memref_slice %arg4[%dma_start3A_653, %dma_start3A_662, %dma_start3A_663] : memref<7x16x1024xf32, #tpu.memory_space<vmem>> -> memref<1x16x1024xf32, #tpu.memory_space<vmem>>
    %dma_start3A_665 = tpu.memref_squeeze %dma_start3A_664 : memref<1x16x1024xf32, #tpu.memory_space<vmem>> -> memref<16x1024xf32, #tpu.memory_space<vmem>>
    tpu.enqueue_dma source(%dma_start3A_665 : memref<16x1024xf32, #tpu.memory_space<vmem>>) target(%dma_start3A_661 : memref<16x1024xf32, #tpu.memory_space<hbm>>) target_semaphore(%arg15 : memref<!tpu.dma_semaphore, #tpu.memory_space<semaphore_mem>>)
    %dma_wait3A_666 = arith.constant 4 : i32
    %dma_wait3A_667 = arith.constant 0 : i32
    %dma_wait3A_668 = arith.constant 0 : i32
    %dma_wait3A_669 = tpu.memref_slice %arg4[%dma_wait3A_666, %dma_wait3A_667, %dma_wait3A_668] : memref<7x16x1024xf32, #tpu.memory_space<vmem>> -> memref<1x16x1024xf32, #tpu.memory_space<vmem>>
    %dma_wait3A_670 = tpu.memref_squeeze %dma_wait3A_669 : memref<1x16x1024xf32, #tpu.memory_space<vmem>> -> memref<16x1024xf32, #tpu.memory_space<vmem>>
    %dma_wait3A_671 = arith.constant 0 : i32
    %dma_wait3A_672 = tpu.memref_slice %arg2[%add3A_372, %dma_wait3A_671] : memref<8192x1024xf32, #tpu.memory_space<hbm>> -> memref<16x1024xf32, #tpu.memory_space<hbm>>
    %dma_wait3A_673 = arith.constant 0 : i32
    %dma_wait3A_674 = arith.constant 0 : i32
    %dma_wait3A_675 = tpu.memref_slice %arg4[%dma_wait3A_666, %dma_wait3A_673, %dma_wait3A_674] : memref<7x16x1024xf32, #tpu.memory_space<vmem>> -> memref<1x16x1024xf32, #tpu.memory_space<vmem>>
    %dma_wait3A_676 = tpu.memref_squeeze %dma_wait3A_675 : memref<1x16x1024xf32, #tpu.memory_space<vmem>> -> memref<16x1024xf32, #tpu.memory_space<vmem>>
    %dma_wait3A_677 = arith.constant 0 : i32
    %dma_wait3A_678 = tpu.memref_slice %arg2[%add3A_372, %dma_wait3A_677] : memref<8192x1024xf32, #tpu.memory_space<hbm>> -> memref<16x1024xf32, #tpu.memory_space<hbm>>
    tpu.wait_dma2 semaphore(%arg9 : memref<!tpu.dma_semaphore, #tpu.memory_space<semaphore_mem>>) src(%dma_wait3A_678 : memref<16x1024xf32, #tpu.memory_space<hbm>>) dst(%dma_wait3A_676 : memref<16x1024xf32, #tpu.memory_space<vmem>>)
    %add3A_679 = arith.constant 176 : i32
    %add3A_680 = arith.addi %mul3A_2, %add3A_679 : i32
    %dma_start3A_681 = arith.constant 4 : i32
    %dma_start3A_682 = arith.constant 0 : i32
    %dma_start3A_683 = arith.constant 0 : i32
    %dma_start3A_684 = tpu.memref_slice %arg4[%dma_start3A_681, %dma_start3A_682, %dma_start3A_683] : memref<7x16x1024xf32, #tpu.memory_space<vmem>> -> memref<1x16x1024xf32, #tpu.memory_space<vmem>>
    %dma_start3A_685 = tpu.memref_squeeze %dma_start3A_684 : memref<1x16x1024xf32, #tpu.memory_space<vmem>> -> memref<16x1024xf32, #tpu.memory_space<vmem>>
    %dma_start3A_686 = arith.constant 0 : i32
    %dma_start3A_687 = tpu.memref_slice %arg3[%add3A_680, %dma_start3A_686] : memref<8192x1024xf32, #tpu.memory_space<hbm>> -> memref<16x1024xf32, #tpu.memory_space<hbm>>
    %dma_start3A_688 = arith.constant 0 : i32
    %dma_start3A_689 = tpu.memref_slice %arg3[%add3A_680, %dma_start3A_688] : memref<8192x1024xf32, #tpu.memory_space<hbm>> -> memref<16x1024xf32, #tpu.memory_space<hbm>>
    %dma_start3A_690 = arith.constant 0 : i32
    %dma_start3A_691 = arith.constant 0 : i32
    %dma_start3A_692 = tpu.memref_slice %arg4[%dma_start3A_681, %dma_start3A_690, %dma_start3A_691] : memref<7x16x1024xf32, #tpu.memory_space<vmem>> -> memref<1x16x1024xf32, #tpu.memory_space<vmem>>
    %dma_start3A_693 = tpu.memref_squeeze %dma_start3A_692 : memref<1x16x1024xf32, #tpu.memory_space<vmem>> -> memref<16x1024xf32, #tpu.memory_space<vmem>>
    tpu.enqueue_dma source(%dma_start3A_693 : memref<16x1024xf32, #tpu.memory_space<vmem>>) target(%dma_start3A_689 : memref<16x1024xf32, #tpu.memory_space<hbm>>) target_semaphore(%arg16 : memref<!tpu.dma_semaphore, #tpu.memory_space<semaphore_mem>>)
    %dma_wait3A_694 = arith.constant 5 : i32
    %dma_wait3A_695 = arith.constant 0 : i32
    %dma_wait3A_696 = arith.constant 0 : i32
    %dma_wait3A_697 = tpu.memref_slice %arg4[%dma_wait3A_694, %dma_wait3A_695, %dma_wait3A_696] : memref<7x16x1024xf32, #tpu.memory_space<vmem>> -> memref<1x16x1024xf32, #tpu.memory_space<vmem>>
    %dma_wait3A_698 = tpu.memref_squeeze %dma_wait3A_697 : memref<1x16x1024xf32, #tpu.memory_space<vmem>> -> memref<16x1024xf32, #tpu.memory_space<vmem>>
    %dma_wait3A_699 = arith.constant 0 : i32
    %dma_wait3A_700 = tpu.memref_slice %arg2[%add3A_428, %dma_wait3A_699] : memref<8192x1024xf32, #tpu.memory_space<hbm>> -> memref<16x1024xf32, #tpu.memory_space<hbm>>
    %dma_wait3A_701 = arith.constant 0 : i32
    %dma_wait3A_702 = arith.constant 0 : i32
    %dma_wait3A_703 = tpu.memref_slice %arg4[%dma_wait3A_694, %dma_wait3A_701, %dma_wait3A_702] : memref<7x16x1024xf32, #tpu.memory_space<vmem>> -> memref<1x16x1024xf32, #tpu.memory_space<vmem>>
    %dma_wait3A_704 = tpu.memref_squeeze %dma_wait3A_703 : memref<1x16x1024xf32, #tpu.memory_space<vmem>> -> memref<16x1024xf32, #tpu.memory_space<vmem>>
    %dma_wait3A_705 = arith.constant 0 : i32
    %dma_wait3A_706 = tpu.memref_slice %arg2[%add3A_428, %dma_wait3A_705] : memref<8192x1024xf32, #tpu.memory_space<hbm>> -> memref<16x1024xf32, #tpu.memory_space<hbm>>
    tpu.wait_dma2 semaphore(%arg10 : memref<!tpu.dma_semaphore, #tpu.memory_space<semaphore_mem>>) src(%dma_wait3A_706 : memref<16x1024xf32, #tpu.memory_space<hbm>>) dst(%dma_wait3A_704 : memref<16x1024xf32, #tpu.memory_space<vmem>>)
    %add3A_707 = arith.constant 192 : i32
    %add3A_708 = arith.addi %mul3A_2, %add3A_707 : i32
    %dma_start3A_709 = arith.constant 5 : i32
    %dma_start3A_710 = arith.constant 0 : i32
    %dma_start3A_711 = arith.constant 0 : i32
    %dma_start3A_712 = tpu.memref_slice %arg4[%dma_start3A_709, %dma_start3A_710, %dma_start3A_711] : memref<7x16x1024xf32, #tpu.memory_space<vmem>> -> memref<1x16x1024xf32, #tpu.memory_space<vmem>>
    %dma_start3A_713 = tpu.memref_squeeze %dma_start3A_712 : memref<1x16x1024xf32, #tpu.memory_space<vmem>> -> memref<16x1024xf32, #tpu.memory_space<vmem>>
    %dma_start3A_714 = arith.constant 0 : i32
    %dma_start3A_715 = tpu.memref_slice %arg3[%add3A_708, %dma_start3A_714] : memref<8192x1024xf32, #tpu.memory_space<hbm>> -> memref<16x1024xf32, #tpu.memory_space<hbm>>
    %dma_start3A_716 = arith.constant 0 : i32
    %dma_start3A_717 = tpu.memref_slice %arg3[%add3A_708, %dma_start3A_716] : memref<8192x1024xf32, #tpu.memory_space<hbm>> -> memref<16x1024xf32, #tpu.memory_space<hbm>>
    %dma_start3A_718 = arith.constant 0 : i32
    %dma_start3A_719 = arith.constant 0 : i32
    %dma_start3A_720 = tpu.memref_slice %arg4[%dma_start3A_709, %dma_start3A_718, %dma_start3A_719] : memref<7x16x1024xf32, #tpu.memory_space<vmem>> -> memref<1x16x1024xf32, #tpu.memory_space<vmem>>
    %dma_start3A_721 = tpu.memref_squeeze %dma_start3A_720 : memref<1x16x1024xf32, #tpu.memory_space<vmem>> -> memref<16x1024xf32, #tpu.memory_space<vmem>>
    tpu.enqueue_dma source(%dma_start3A_721 : memref<16x1024xf32, #tpu.memory_space<vmem>>) target(%dma_start3A_717 : memref<16x1024xf32, #tpu.memory_space<hbm>>) target_semaphore(%arg17 : memref<!tpu.dma_semaphore, #tpu.memory_space<semaphore_mem>>)
    %dma_wait3A_722 = arith.constant 6 : i32
    %dma_wait3A_723 = arith.constant 0 : i32
    %dma_wait3A_724 = arith.constant 0 : i32
    %dma_wait3A_725 = tpu.memref_slice %arg4[%dma_wait3A_722, %dma_wait3A_723, %dma_wait3A_724] : memref<7x16x1024xf32, #tpu.memory_space<vmem>> -> memref<1x16x1024xf32, #tpu.memory_space<vmem>>
    %dma_wait3A_726 = tpu.memref_squeeze %dma_wait3A_725 : memref<1x16x1024xf32, #tpu.memory_space<vmem>> -> memref<16x1024xf32, #tpu.memory_space<vmem>>
    %dma_wait3A_727 = arith.constant 0 : i32
    %dma_wait3A_728 = tpu.memref_slice %arg2[%add3A_484, %dma_wait3A_727] : memref<8192x1024xf32, #tpu.memory_space<hbm>> -> memref<16x1024xf32, #tpu.memory_space<hbm>>
    %dma_wait3A_729 = arith.constant 0 : i32
    %dma_wait3A_730 = arith.constant 0 : i32
    %dma_wait3A_731 = tpu.memref_slice %arg4[%dma_wait3A_722, %dma_wait3A_729, %dma_wait3A_730] : memref<7x16x1024xf32, #tpu.memory_space<vmem>> -> memref<1x16x1024xf32, #tpu.memory_space<vmem>>
    %dma_wait3A_732 = tpu.memref_squeeze %dma_wait3A_731 : memref<1x16x1024xf32, #tpu.memory_space<vmem>> -> memref<16x1024xf32, #tpu.memory_space<vmem>>
    %dma_wait3A_733 = arith.constant 0 : i32
    %dma_wait3A_734 = tpu.memref_slice %arg2[%add3A_484, %dma_wait3A_733] : memref<8192x1024xf32, #tpu.memory_space<hbm>> -> memref<16x1024xf32, #tpu.memory_space<hbm>>
    tpu.wait_dma2 semaphore(%arg11 : memref<!tpu.dma_semaphore, #tpu.memory_space<semaphore_mem>>) src(%dma_wait3A_734 : memref<16x1024xf32, #tpu.memory_space<hbm>>) dst(%dma_wait3A_732 : memref<16x1024xf32, #tpu.memory_space<vmem>>)
    %add3A_735 = arith.constant 208 : i32
    %add3A_736 = arith.addi %mul3A_2, %add3A_735 : i32
    %dma_start3A_737 = arith.constant 6 : i32
    %dma_start3A_738 = arith.constant 0 : i32
    %dma_start3A_739 = arith.constant 0 : i32
    %dma_start3A_740 = tpu.memref_slice %arg4[%dma_start3A_737, %dma_start3A_738, %dma_start3A_739] : memref<7x16x1024xf32, #tpu.memory_space<vmem>> -> memref<1x16x1024xf32, #tpu.memory_space<vmem>>
    %dma_start3A_741 = tpu.memref_squeeze %dma_start3A_740 : memref<1x16x1024xf32, #tpu.memory_space<vmem>> -> memref<16x1024xf32, #tpu.memory_space<vmem>>
    %dma_start3A_742 = arith.constant 0 : i32
    %dma_start3A_743 = tpu.memref_slice %arg3[%add3A_736, %dma_start3A_742] : memref<8192x1024xf32, #tpu.memory_space<hbm>> -> memref<16x1024xf32, #tpu.memory_space<hbm>>
    %dma_start3A_744 = arith.constant 0 : i32
    %dma_start3A_745 = tpu.memref_slice %arg3[%add3A_736, %dma_start3A_744] : memref<8192x1024xf32, #tpu.memory_space<hbm>> -> memref<16x1024xf32, #tpu.memory_space<hbm>>
    %dma_start3A_746 = arith.constant 0 : i32
    %dma_start3A_747 = arith.constant 0 : i32
    %dma_start3A_748 = tpu.memref_slice %arg4[%dma_start3A_737, %dma_start3A_746, %dma_start3A_747] : memref<7x16x1024xf32, #tpu.memory_space<vmem>> -> memref<1x16x1024xf32, #tpu.memory_space<vmem>>
    %dma_start3A_749 = tpu.memref_squeeze %dma_start3A_748 : memref<1x16x1024xf32, #tpu.memory_space<vmem>> -> memref<16x1024xf32, #tpu.memory_space<vmem>>
    tpu.enqueue_dma source(%dma_start3A_749 : memref<16x1024xf32, #tpu.memory_space<vmem>>) target(%dma_start3A_745 : memref<16x1024xf32, #tpu.memory_space<hbm>>) target_semaphore(%arg18 : memref<!tpu.dma_semaphore, #tpu.memory_space<semaphore_mem>>)
    %dma_wait3A_750 = arith.constant 0 : i32
    %dma_wait3A_751 = arith.constant 0 : i32
    %dma_wait3A_752 = arith.constant 0 : i32
    %dma_wait3A_753 = tpu.memref_slice %arg4[%dma_wait3A_750, %dma_wait3A_751, %dma_wait3A_752] : memref<7x16x1024xf32, #tpu.memory_space<vmem>> -> memref<1x16x1024xf32, #tpu.memory_space<vmem>>
    %dma_wait3A_754 = tpu.memref_squeeze %dma_wait3A_753 : memref<1x16x1024xf32, #tpu.memory_space<vmem>> -> memref<16x1024xf32, #tpu.memory_space<vmem>>
    %dma_wait3A_755 = arith.constant 0 : i32
    %dma_wait3A_756 = tpu.memref_slice %arg2[%add3A_540, %dma_wait3A_755] : memref<8192x1024xf32, #tpu.memory_space<hbm>> -> memref<16x1024xf32, #tpu.memory_space<hbm>>
    %dma_wait3A_757 = arith.constant 0 : i32
    %dma_wait3A_758 = arith.constant 0 : i32
    %dma_wait3A_759 = tpu.memref_slice %arg4[%dma_wait3A_750, %dma_wait3A_757, %dma_wait3A_758] : memref<7x16x1024xf32, #tpu.memory_space<vmem>> -> memref<1x16x1024xf32, #tpu.memory_space<vmem>>
    %dma_wait3A_760 = tpu.memref_squeeze %dma_wait3A_759 : memref<1x16x1024xf32, #tpu.memory_space<vmem>> -> memref<16x1024xf32, #tpu.memory_space<vmem>>
    %dma_wait3A_761 = arith.constant 0 : i32
    %dma_wait3A_762 = tpu.memref_slice %arg2[%add3A_540, %dma_wait3A_761] : memref<8192x1024xf32, #tpu.memory_space<hbm>> -> memref<16x1024xf32, #tpu.memory_space<hbm>>
    tpu.wait_dma2 semaphore(%arg5 : memref<!tpu.dma_semaphore, #tpu.memory_space<semaphore_mem>>) src(%dma_wait3A_762 : memref<16x1024xf32, #tpu.memory_space<hbm>>) dst(%dma_wait3A_760 : memref<16x1024xf32, #tpu.memory_space<vmem>>)
    %add3A_763 = arith.constant 224 : i32
    %add3A_764 = arith.addi %mul3A_2, %add3A_763 : i32
    %dma_start3A_765 = arith.constant 0 : i32
    %dma_start3A_766 = arith.constant 0 : i32
    %dma_start3A_767 = arith.constant 0 : i32
    %dma_start3A_768 = tpu.memref_slice %arg4[%dma_start3A_765, %dma_start3A_766, %dma_start3A_767] : memref<7x16x1024xf32, #tpu.memory_space<vmem>> -> memref<1x16x1024xf32, #tpu.memory_space<vmem>>
    %dma_start3A_769 = tpu.memref_squeeze %dma_start3A_768 : memref<1x16x1024xf32, #tpu.memory_space<vmem>> -> memref<16x1024xf32, #tpu.memory_space<vmem>>
    %dma_start3A_770 = arith.constant 0 : i32
    %dma_start3A_771 = tpu.memref_slice %arg3[%add3A_764, %dma_start3A_770] : memref<8192x1024xf32, #tpu.memory_space<hbm>> -> memref<16x1024xf32, #tpu.memory_space<hbm>>
    %dma_start3A_772 = arith.constant 0 : i32
    %dma_start3A_773 = tpu.memref_slice %arg3[%add3A_764, %dma_start3A_772] : memref<8192x1024xf32, #tpu.memory_space<hbm>> -> memref<16x1024xf32, #tpu.memory_space<hbm>>
    %dma_start3A_774 = arith.constant 0 : i32
    %dma_start3A_775 = arith.constant 0 : i32
    %dma_start3A_776 = tpu.memref_slice %arg4[%dma_start3A_765, %dma_start3A_774, %dma_start3A_775] : memref<7x16x1024xf32, #tpu.memory_space<vmem>> -> memref<1x16x1024xf32, #tpu.memory_space<vmem>>
    %dma_start3A_777 = tpu.memref_squeeze %dma_start3A_776 : memref<1x16x1024xf32, #tpu.memory_space<vmem>> -> memref<16x1024xf32, #tpu.memory_space<vmem>>
    tpu.enqueue_dma source(%dma_start3A_777 : memref<16x1024xf32, #tpu.memory_space<vmem>>) target(%dma_start3A_773 : memref<16x1024xf32, #tpu.memory_space<hbm>>) target_semaphore(%arg12 : memref<!tpu.dma_semaphore, #tpu.memory_space<semaphore_mem>>)
    %dma_wait3A_778 = arith.constant 1 : i32
    %dma_wait3A_779 = arith.constant 0 : i32
    %dma_wait3A_780 = arith.constant 0 : i32
    %dma_wait3A_781 = tpu.memref_slice %arg4[%dma_wait3A_778, %dma_wait3A_779, %dma_wait3A_780] : memref<7x16x1024xf32, #tpu.memory_space<vmem>> -> memref<1x16x1024xf32, #tpu.memory_space<vmem>>
    %dma_wait3A_782 = tpu.memref_squeeze %dma_wait3A_781 : memref<1x16x1024xf32, #tpu.memory_space<vmem>> -> memref<16x1024xf32, #tpu.memory_space<vmem>>
    %dma_wait3A_783 = arith.constant 0 : i32
    %dma_wait3A_784 = tpu.memref_slice %arg2[%add3A_596, %dma_wait3A_783] : memref<8192x1024xf32, #tpu.memory_space<hbm>> -> memref<16x1024xf32, #tpu.memory_space<hbm>>
    %dma_wait3A_785 = arith.constant 0 : i32
    %dma_wait3A_786 = arith.constant 0 : i32
    %dma_wait3A_787 = tpu.memref_slice %arg4[%dma_wait3A_778, %dma_wait3A_785, %dma_wait3A_786] : memref<7x16x1024xf32, #tpu.memory_space<vmem>> -> memref<1x16x1024xf32, #tpu.memory_space<vmem>>
    %dma_wait3A_788 = tpu.memref_squeeze %dma_wait3A_787 : memref<1x16x1024xf32, #tpu.memory_space<vmem>> -> memref<16x1024xf32, #tpu.memory_space<vmem>>
    %dma_wait3A_789 = arith.constant 0 : i32
    %dma_wait3A_790 = tpu.memref_slice %arg2[%add3A_596, %dma_wait3A_789] : memref<8192x1024xf32, #tpu.memory_space<hbm>> -> memref<16x1024xf32, #tpu.memory_space<hbm>>
    tpu.wait_dma2 semaphore(%arg6 : memref<!tpu.dma_semaphore, #tpu.memory_space<semaphore_mem>>) src(%dma_wait3A_790 : memref<16x1024xf32, #tpu.memory_space<hbm>>) dst(%dma_wait3A_788 : memref<16x1024xf32, #tpu.memory_space<vmem>>)
    %add3A_791 = arith.constant 240 : i32
    %add3A_792 = arith.addi %mul3A_2, %add3A_791 : i32
    %dma_start3A_793 = arith.constant 1 : i32
    %dma_start3A_794 = arith.constant 0 : i32
    %dma_start3A_795 = arith.constant 0 : i32
    %dma_start3A_796 = tpu.memref_slice %arg4[%dma_start3A_793, %dma_start3A_794, %dma_start3A_795] : memref<7x16x1024xf32, #tpu.memory_space<vmem>> -> memref<1x16x1024xf32, #tpu.memory_space<vmem>>
    %dma_start3A_797 = tpu.memref_squeeze %dma_start3A_796 : memref<1x16x1024xf32, #tpu.memory_space<vmem>> -> memref<16x1024xf32, #tpu.memory_space<vmem>>
    %dma_start3A_798 = arith.constant 0 : i32
    %dma_start3A_799 = tpu.memref_slice %arg3[%add3A_792, %dma_start3A_798] : memref<8192x1024xf32, #tpu.memory_space<hbm>> -> memref<16x1024xf32, #tpu.memory_space<hbm>>
    %dma_start3A_800 = arith.constant 0 : i32
    %dma_start3A_801 = tpu.memref_slice %arg3[%add3A_792, %dma_start3A_800] : memref<8192x1024xf32, #tpu.memory_space<hbm>> -> memref<16x1024xf32, #tpu.memory_space<hbm>>
    %dma_start3A_802 = arith.constant 0 : i32
    %dma_start3A_803 = arith.constant 0 : i32
    %dma_start3A_804 = tpu.memref_slice %arg4[%dma_start3A_793, %dma_start3A_802, %dma_start3A_803] : memref<7x16x1024xf32, #tpu.memory_space<vmem>> -> memref<1x16x1024xf32, #tpu.memory_space<vmem>>
    %dma_start3A_805 = tpu.memref_squeeze %dma_start3A_804 : memref<1x16x1024xf32, #tpu.memory_space<vmem>> -> memref<16x1024xf32, #tpu.memory_space<vmem>>
    tpu.enqueue_dma source(%dma_start3A_805 : memref<16x1024xf32, #tpu.memory_space<vmem>>) target(%dma_start3A_801 : memref<16x1024xf32, #tpu.memory_space<hbm>>) target_semaphore(%arg13 : memref<!tpu.dma_semaphore, #tpu.memory_space<semaphore_mem>>)
    %dma_wait3A_806 = arith.constant 2 : i32
    %dma_wait3A_807 = arith.constant 0 : i32
    %dma_wait3A_808 = arith.constant 0 : i32
    %dma_wait3A_809 = tpu.memref_slice %arg4[%dma_wait3A_806, %dma_wait3A_807, %dma_wait3A_808] : memref<7x16x1024xf32, #tpu.memory_space<vmem>> -> memref<1x16x1024xf32, #tpu.memory_space<vmem>>
    %dma_wait3A_810 = tpu.memref_squeeze %dma_wait3A_809 : memref<1x16x1024xf32, #tpu.memory_space<vmem>> -> memref<16x1024xf32, #tpu.memory_space<vmem>>
    %dma_wait3A_811 = arith.constant 0 : i32
    %dma_wait3A_812 = tpu.memref_slice %arg3[%add3A_624, %dma_wait3A_811] : memref<8192x1024xf32, #tpu.memory_space<hbm>> -> memref<16x1024xf32, #tpu.memory_space<hbm>>
    %dma_wait3A_813 = arith.constant 0 : i32
    %dma_wait3A_814 = tpu.memref_slice %arg3[%add3A_624, %dma_wait3A_813] : memref<8192x1024xf32, #tpu.memory_space<hbm>> -> memref<16x1024xf32, #tpu.memory_space<hbm>>
    %dma_wait3A_815 = arith.constant 0 : i32
    %dma_wait3A_816 = arith.constant 0 : i32
    %dma_wait3A_817 = tpu.memref_slice %arg4[%dma_wait3A_806, %dma_wait3A_815, %dma_wait3A_816] : memref<7x16x1024xf32, #tpu.memory_space<vmem>> -> memref<1x16x1024xf32, #tpu.memory_space<vmem>>
    %dma_wait3A_818 = tpu.memref_squeeze %dma_wait3A_817 : memref<1x16x1024xf32, #tpu.memory_space<vmem>> -> memref<16x1024xf32, #tpu.memory_space<vmem>>
    tpu.wait_dma2 semaphore(%arg14 : memref<!tpu.dma_semaphore, #tpu.memory_space<semaphore_mem>>) src(%dma_wait3A_818 : memref<16x1024xf32, #tpu.memory_space<vmem>>) dst(%dma_wait3A_814 : memref<16x1024xf32, #tpu.memory_space<hbm>>)
    %dma_wait3A_819 = arith.constant 3 : i32
    %dma_wait3A_820 = arith.constant 0 : i32
    %dma_wait3A_821 = arith.constant 0 : i32
    %dma_wait3A_822 = tpu.memref_slice %arg4[%dma_wait3A_819, %dma_wait3A_820, %dma_wait3A_821] : memref<7x16x1024xf32, #tpu.memory_space<vmem>> -> memref<1x16x1024xf32, #tpu.memory_space<vmem>>
    %dma_wait3A_823 = tpu.memref_squeeze %dma_wait3A_822 : memref<1x16x1024xf32, #tpu.memory_space<vmem>> -> memref<16x1024xf32, #tpu.memory_space<vmem>>
    %dma_wait3A_824 = arith.constant 0 : i32
    %dma_wait3A_825 = tpu.memref_slice %arg3[%add3A_652, %dma_wait3A_824] : memref<8192x1024xf32, #tpu.memory_space<hbm>> -> memref<16x1024xf32, #tpu.memory_space<hbm>>
    %dma_wait3A_826 = arith.constant 0 : i32
    %dma_wait3A_827 = tpu.memref_slice %arg3[%add3A_652, %dma_wait3A_826] : memref<8192x1024xf32, #tpu.memory_space<hbm>> -> memref<16x1024xf32, #tpu.memory_space<hbm>>
    %dma_wait3A_828 = arith.constant 0 : i32
    %dma_wait3A_829 = arith.constant 0 : i32
    %dma_wait3A_830 = tpu.memref_slice %arg4[%dma_wait3A_819, %dma_wait3A_828, %dma_wait3A_829] : memref<7x16x1024xf32, #tpu.memory_space<vmem>> -> memref<1x16x1024xf32, #tpu.memory_space<vmem>>
    %dma_wait3A_831 = tpu.memref_squeeze %dma_wait3A_830 : memref<1x16x1024xf32, #tpu.memory_space<vmem>> -> memref<16x1024xf32, #tpu.memory_space<vmem>>
    tpu.wait_dma2 semaphore(%arg15 : memref<!tpu.dma_semaphore, #tpu.memory_space<semaphore_mem>>) src(%dma_wait3A_831 : memref<16x1024xf32, #tpu.memory_space<vmem>>) dst(%dma_wait3A_827 : memref<16x1024xf32, #tpu.memory_space<hbm>>)
    %dma_wait3A_832 = arith.constant 4 : i32
    %dma_wait3A_833 = arith.constant 0 : i32
    %dma_wait3A_834 = arith.constant 0 : i32
    %dma_wait3A_835 = tpu.memref_slice %arg4[%dma_wait3A_832, %dma_wait3A_833, %dma_wait3A_834] : memref<7x16x1024xf32, #tpu.memory_space<vmem>> -> memref<1x16x1024xf32, #tpu.memory_space<vmem>>
    %dma_wait3A_836 = tpu.memref_squeeze %dma_wait3A_835 : memref<1x16x1024xf32, #tpu.memory_space<vmem>> -> memref<16x1024xf32, #tpu.memory_space<vmem>>
    %dma_wait3A_837 = arith.constant 0 : i32
    %dma_wait3A_838 = tpu.memref_slice %arg3[%add3A_680, %dma_wait3A_837] : memref<8192x1024xf32, #tpu.memory_space<hbm>> -> memref<16x1024xf32, #tpu.memory_space<hbm>>
    %dma_wait3A_839 = arith.constant 0 : i32
    %dma_wait3A_840 = tpu.memref_slice %arg3[%add3A_680, %dma_wait3A_839] : memref<8192x1024xf32, #tpu.memory_space<hbm>> -> memref<16x1024xf32, #tpu.memory_space<hbm>>
    %dma_wait3A_841 = arith.constant 0 : i32
    %dma_wait3A_842 = arith.constant 0 : i32
    %dma_wait3A_843 = tpu.memref_slice %arg4[%dma_wait3A_832, %dma_wait3A_841, %dma_wait3A_842] : memref<7x16x1024xf32, #tpu.memory_space<vmem>> -> memref<1x16x1024xf32, #tpu.memory_space<vmem>>
    %dma_wait3A_844 = tpu.memref_squeeze %dma_wait3A_843 : memref<1x16x1024xf32, #tpu.memory_space<vmem>> -> memref<16x1024xf32, #tpu.memory_space<vmem>>
    tpu.wait_dma2 semaphore(%arg16 : memref<!tpu.dma_semaphore, #tpu.memory_space<semaphore_mem>>) src(%dma_wait3A_844 : memref<16x1024xf32, #tpu.memory_space<vmem>>) dst(%dma_wait3A_840 : memref<16x1024xf32, #tpu.memory_space<hbm>>)
    %dma_wait3A_845 = arith.constant 5 : i32
    %dma_wait3A_846 = arith.constant 0 : i32
    %dma_wait3A_847 = arith.constant 0 : i32
    %dma_wait3A_848 = tpu.memref_slice %arg4[%dma_wait3A_845, %dma_wait3A_846, %dma_wait3A_847] : memref<7x16x1024xf32, #tpu.memory_space<vmem>> -> memref<1x16x1024xf32, #tpu.memory_space<vmem>>
    %dma_wait3A_849 = tpu.memref_squeeze %dma_wait3A_848 : memref<1x16x1024xf32, #tpu.memory_space<vmem>> -> memref<16x1024xf32, #tpu.memory_space<vmem>>
    %dma_wait3A_850 = arith.constant 0 : i32
    %dma_wait3A_851 = tpu.memref_slice %arg3[%add3A_708, %dma_wait3A_850] : memref<8192x1024xf32, #tpu.memory_space<hbm>> -> memref<16x1024xf32, #tpu.memory_space<hbm>>
    %dma_wait3A_852 = arith.constant 0 : i32
    %dma_wait3A_853 = tpu.memref_slice %arg3[%add3A_708, %dma_wait3A_852] : memref<8192x1024xf32, #tpu.memory_space<hbm>> -> memref<16x1024xf32, #tpu.memory_space<hbm>>
    %dma_wait3A_854 = arith.constant 0 : i32
    %dma_wait3A_855 = arith.constant 0 : i32
    %dma_wait3A_856 = tpu.memref_slice %arg4[%dma_wait3A_845, %dma_wait3A_854, %dma_wait3A_855] : memref<7x16x1024xf32, #tpu.memory_space<vmem>> -> memref<1x16x1024xf32, #tpu.memory_space<vmem>>
    %dma_wait3A_857 = tpu.memref_squeeze %dma_wait3A_856 : memref<1x16x1024xf32, #tpu.memory_space<vmem>> -> memref<16x1024xf32, #tpu.memory_space<vmem>>
    tpu.wait_dma2 semaphore(%arg17 : memref<!tpu.dma_semaphore, #tpu.memory_space<semaphore_mem>>) src(%dma_wait3A_857 : memref<16x1024xf32, #tpu.memory_space<vmem>>) dst(%dma_wait3A_853 : memref<16x1024xf32, #tpu.memory_space<hbm>>)
    %dma_wait3A_858 = arith.constant 6 : i32
    %dma_wait3A_859 = arith.constant 0 : i32
    %dma_wait3A_860 = arith.constant 0 : i32
    %dma_wait3A_861 = tpu.memref_slice %arg4[%dma_wait3A_858, %dma_wait3A_859, %dma_wait3A_860] : memref<7x16x1024xf32, #tpu.memory_space<vmem>> -> memref<1x16x1024xf32, #tpu.memory_space<vmem>>
    %dma_wait3A_862 = tpu.memref_squeeze %dma_wait3A_861 : memref<1x16x1024xf32, #tpu.memory_space<vmem>> -> memref<16x1024xf32, #tpu.memory_space<vmem>>
    %dma_wait3A_863 = arith.constant 0 : i32
    %dma_wait3A_864 = tpu.memref_slice %arg3[%add3A_736, %dma_wait3A_863] : memref<8192x1024xf32, #tpu.memory_space<hbm>> -> memref<16x1024xf32, #tpu.memory_space<hbm>>
    %dma_wait3A_865 = arith.constant 0 : i32
    %dma_wait3A_866 = tpu.memref_slice %arg3[%add3A_736, %dma_wait3A_865] : memref<8192x1024xf32, #tpu.memory_space<hbm>> -> memref<16x1024xf32, #tpu.memory_space<hbm>>
    %dma_wait3A_867 = arith.constant 0 : i32
    %dma_wait3A_868 = arith.constant 0 : i32
    %dma_wait3A_869 = tpu.memref_slice %arg4[%dma_wait3A_858, %dma_wait3A_867, %dma_wait3A_868] : memref<7x16x1024xf32, #tpu.memory_space<vmem>> -> memref<1x16x1024xf32, #tpu.memory_space<vmem>>
    %dma_wait3A_870 = tpu.memref_squeeze %dma_wait3A_869 : memref<1x16x1024xf32, #tpu.memory_space<vmem>> -> memref<16x1024xf32, #tpu.memory_space<vmem>>
    tpu.wait_dma2 semaphore(%arg18 : memref<!tpu.dma_semaphore, #tpu.memory_space<semaphore_mem>>) src(%dma_wait3A_870 : memref<16x1024xf32, #tpu.memory_space<vmem>>) dst(%dma_wait3A_866 : memref<16x1024xf32, #tpu.memory_space<hbm>>)
    %dma_wait3A_871 = arith.constant 0 : i32
    %dma_wait3A_872 = arith.constant 0 : i32
    %dma_wait3A_873 = arith.constant 0 : i32
    %dma_wait3A_874 = tpu.memref_slice %arg4[%dma_wait3A_871, %dma_wait3A_872, %dma_wait3A_873] : memref<7x16x1024xf32, #tpu.memory_space<vmem>> -> memref<1x16x1024xf32, #tpu.memory_space<vmem>>
    %dma_wait3A_875 = tpu.memref_squeeze %dma_wait3A_874 : memref<1x16x1024xf32, #tpu.memory_space<vmem>> -> memref<16x1024xf32, #tpu.memory_space<vmem>>
    %dma_wait3A_876 = arith.constant 0 : i32
    %dma_wait3A_877 = tpu.memref_slice %arg3[%add3A_764, %dma_wait3A_876] : memref<8192x1024xf32, #tpu.memory_space<hbm>> -> memref<16x1024xf32, #tpu.memory_space<hbm>>
    %dma_wait3A_878 = arith.constant 0 : i32
    %dma_wait3A_879 = tpu.memref_slice %arg3[%add3A_764, %dma_wait3A_878] : memref<8192x1024xf32, #tpu.memory_space<hbm>> -> memref<16x1024xf32, #tpu.memory_space<hbm>>
    %dma_wait3A_880 = arith.constant 0 : i32
    %dma_wait3A_881 = arith.constant 0 : i32
    %dma_wait3A_882 = tpu.memref_slice %arg4[%dma_wait3A_871, %dma_wait3A_880, %dma_wait3A_881] : memref<7x16x1024xf32, #tpu.memory_space<vmem>> -> memref<1x16x1024xf32, #tpu.memory_space<vmem>>
    %dma_wait3A_883 = tpu.memref_squeeze %dma_wait3A_882 : memref<1x16x1024xf32, #tpu.memory_space<vmem>> -> memref<16x1024xf32, #tpu.memory_space<vmem>>
    tpu.wait_dma2 semaphore(%arg12 : memref<!tpu.dma_semaphore, #tpu.memory_space<semaphore_mem>>) src(%dma_wait3A_883 : memref<16x1024xf32, #tpu.memory_space<vmem>>) dst(%dma_wait3A_879 : memref<16x1024xf32, #tpu.memory_space<hbm>>)
    %dma_wait3A_884 = arith.constant 1 : i32
    %dma_wait3A_885 = arith.constant 0 : i32
    %dma_wait3A_886 = arith.constant 0 : i32
    %dma_wait3A_887 = tpu.memref_slice %arg4[%dma_wait3A_884, %dma_wait3A_885, %dma_wait3A_886] : memref<7x16x1024xf32, #tpu.memory_space<vmem>> -> memref<1x16x1024xf32, #tpu.memory_space<vmem>>
    %dma_wait3A_888 = tpu.memref_squeeze %dma_wait3A_887 : memref<1x16x1024xf32, #tpu.memory_space<vmem>> -> memref<16x1024xf32, #tpu.memory_space<vmem>>
    %dma_wait3A_889 = arith.constant 0 : i32
    %dma_wait3A_890 = tpu.memref_slice %arg3[%add3A_792, %dma_wait3A_889] : memref<8192x1024xf32, #tpu.memory_space<hbm>> -> memref<16x1024xf32, #tpu.memory_space<hbm>>
    %dma_wait3A_891 = arith.constant 0 : i32
    %dma_wait3A_892 = tpu.memref_slice %arg3[%add3A_792, %dma_wait3A_891] : memref<8192x1024xf32, #tpu.memory_space<hbm>> -> memref<16x1024xf32, #tpu.memory_space<hbm>>
    %dma_wait3A_893 = arith.constant 0 : i32
    %dma_wait3A_894 = arith.constant 0 : i32
    %dma_wait3A_895 = tpu.memref_slice %arg4[%dma_wait3A_884, %dma_wait3A_893, %dma_wait3A_894] : memref<7x16x1024xf32, #tpu.memory_space<vmem>> -> memref<1x16x1024xf32, #tpu.memory_space<vmem>>
    %dma_wait3A_896 = tpu.memref_squeeze %dma_wait3A_895 : memref<1x16x1024xf32, #tpu.memory_space<vmem>> -> memref<16x1024xf32, #tpu.memory_space<vmem>>
    tpu.wait_dma2 semaphore(%arg13 : memref<!tpu.dma_semaphore, #tpu.memory_space<semaphore_mem>>) src(%dma_wait3A_896 : memref<16x1024xf32, #tpu.memory_space<vmem>>) dst(%dma_wait3A_892 : memref<16x1024xf32, #tpu.memory_space<hbm>>)
    return
  }
}

</mosaic_0001>

<sc_bundles>
// kernel: kernel.3.cloned.1.call-start
scs
__scs_entry_jumppad:
0x0: {  	(pc) =	sbr.rel $0x88, $3  }
0x1: {  	(tag) =	ssettag $0x0;
	lr =	simm.s32 $0x1  }
0x2: {  	[smem:$0x3FA0] =	sst lr;
	_ =	strace $0xD0000000  }
0x3: {  	_ = 	snop  }
0x4: {  	_ = 	snop  }
0x5: {  	_ = 	snop  }
0x6: {  	_ = 	snop  }
0x7: {  	_ = 	snop  }
__scs_overlays_trampoline_lowered:
0x8: {  	[smem:$0x3FAF] =	sst s0  }
0x9: {  	[smem:$0x3FB0] =	sst s1  }
0xa: {  	[smem:$0x3FB1] =	sst s2  }
0xb: {  	[smem:$0x3FB2] =	sst s3  }
0xc: {  	[smem:$0x3FB3] =	sst s4  }
0xd: {  	[smem:$0x3FB4] =	sst s5  }
0xe: {  	[smem:$0x3FB5] =	sst s6  }
0xf: {  	[smem:$0x3FB6] =	sst s7  }
0x10: {  	[smem:$0x3FB7] =	sst s8  }
0x11: {  	[smem:$0x3FB8] =	sst s9;
	s0 =	simm.s32 @!p0 $0x0  }
0x12: {  	s1 =	sld [smem:$0x3F9E];
	s0 =	simm.s32 @p0 $0x1  }
0x13: {  	[smem:$0x3FB9] =	sst s0;
	s0 =	simm.s32 @!p1 $0x0  }
0x14: {  	s2 =	sld [smem:$0x3F9D];
	s0 =	simm.s32 @p1 $0x1  }
0x15: {  	[smem:$0x3FBA] =	sst s0;
	s0 =	simm.s32 @!p2 $0x0  }
0x16: {  	s3 =	sld [smem:$0x3FDB];
	s0 =	simm.s32 @p2 $0x1  }
0x17: {  	s4 =	simm.s32 $0x1BF5;
	[smem:$0x3FBC] =	sst s0  }
0x18: {  	s0 =	sld [smem:$0x3F9F];
	_ =	swait.ge [sflag:s4], $0x0  }
0x19: {  	s7 =	sld [smem:$0x3FA0]  }
0x1a: {  	s8 =	sadd.s32 $0xFFFFE003, lr  }
0x1b: {  	s9 =	sadd.s32 $0xFFFFFEF7, lr;
	s5 =	simm.s32 $0xFFFFFFFF;
	p2 =	slt.u32 s8, $0xFFFFF086  }
0x1c: {  	p1 =	slt.u32 s9, $0xF7A;
	s5 =	simm.s32 @!p2 $0x0  }
0x1d: {  	s5 =	simm.s32 @p1 $0x1;
	p0 =	seq.s32 s7, s2  }
0x1e: {  	s7 =	smul.u32 @!p0 $0xF7A, s2;
	p2 =	seq.s32 @!p0 s5, $0x0  }
0x1f: {  	s9 =	smul.u32 $0xF7A, s1;
	s8 =	simm.s32 @!p0 $0x1BF5;
	p2 =	por !p2, p0  }
0x20: {  	[sflag:s8] =	ssyncset.s32 @!p0 $0xFFFFF086;
	s6 =	sadd.s32 @!p0 s3, s7;
	s7 =	simm.s32 @!p0 $0x108  }
0x21: {  	s3 =	sadd.s32 s3, s9;
	s6 =	sadd.s32 @!p0 $0x88, s6;
	s7 =	simm.s32 @p2 $0x1082  }
0x22: {  	[simem:s7], [sflag:s8] =	dma.local @!p0 [hbm:s6], $0xF7A  }
0x23: {  	s9 =	sor.u32 $0xD0000000, s2;
	s6 =	simm.s32 $0x108;
	_ =	swait.ge @!p0 [sflag:s8], $0x0  }
0x24: {  	s3 =	sadd.s32 $0x88, s3;
	s6 =	simm.s32 @!p1 $0x1082;
	[sflag:s4] =	ssyncset.s32 $0xFFFFF086  }
0x25: {  	[simem:s6], [sflag:s4] =	dma.local [hbm:s3], $0xF7A  }
0x26: {  	[smem:$0x3FA0] =	sst s1;
	(tag) =	ssettag s2;
	_ =	strace s9  }
0x27: {  	s1 =	sld [smem:$0x3FB0]  }
0x28: {  	s2 =	sld [smem:$0x3FB1]  }
0x29: {  	s4 =	sld [smem:$0x3FB3]  }
0x2a: {  	p0 =	seq.s32 s5, $0x0;
	s5 =	sld [smem:$0x3FB4]  }
0x2b: {  	s6 =	sld [smem:$0x3FB5]  }
0x2c: {  	s7 =	sld [smem:$0x3FB6]  }
0x2d: {  	s3 =	simm.s32 $0x108;
	s8 =	sld [smem:$0x3FB7]  }
0x2e: {  	s3 =	simm.s32 @!p0 $0x1082;
	s9 =	sld [smem:$0x3FB8]  }
0x2f: {  	lr =	sadd.s32 s0, s3;
	s0 =	sld [smem:$0x3FAF]  }
0x30: {  	s3 =	sld [smem:$0x3FB2]  }
0x31: {  	[smem:$0x3FBB] =	sst s10  }
0x32: {  	s10 =	sld [smem:$0x3FB9];
	_ =	sdelay $0x3  }
0x33: {  	p0 =	seq.s32 s10, $0x1;
	s10 =	sld [smem:$0x3FBB];
	_ =	sdelay $0x3  }
0x34: {  	[smem:$0x3FBB] =	sst s10  }
0x35: {  	s10 =	sld [smem:$0x3FBA];
	_ =	sdelay $0x3  }
0x36: {  	p1 =	seq.s32 s10, $0x1;
	s10 =	sld [smem:$0x3FBB];
	_ =	sdelay $0x3  }
0x37: {  	[smem:$0x3FBB] =	sst s10  }
0x38: {  	s10 =	sld [smem:$0x3FBC]  }
0x39: {  	_ = 	snop;
	(pc) =	sbr.ind lr, $3  }
0x3a: {  	_ = 	snop  }
0x3b: {  	_ = 	snop  }
0x3c: {  	p2 =	seq.s32 s10, $0x1;
	s10 =	sld [smem:$0x3FBB]  }
0x3d: {  	_ =	shalt  }
0x3e: {  	_ =	shalt  }
0x3f: {  	_ =	shalt  }
0x40: {  	_ =	shalt  }
0x41: {  	_ =	shalt  }
0x42: {  	_ =	shalt  }
0x43: {  	_ =	shalt  }
0x44: {  	_ =	shalt  }
0x45: {  	_ =	shalt  }
0x46: {  	_ =	shalt  }
0x47: {  	_ =	shalt  }
0x48: {  	_ =	shalt  }
0x49: {  	_ =	shalt  }
0x4a: {  	_ =	shalt  }
0x4b: {  	_ =	shalt  }
0x4c: {  	_ =	shalt  }
0x4d: {  	_ =	shalt  }
0x4e: {  	_ =	shalt  }
0x4f: {  	_ =	shalt  }
0x50: {  	_ =	shalt  }
0x51: {  	_ =	shalt  }
0x52: {  	_ =	shalt  }
0x53: {  	_ =	shalt  }
0x54: {  	_ =	shalt  }
0x55: {  	_ =	shalt  }
0x56: {  	_ =	shalt  }
0x57: {  	_ =	shalt  }
0x58: {  	_ =	shalt  }
0x59: {  	_ =	shalt  }
0x5a: {  	_ =	shalt  }
0x5b: {  	_ =	shalt  }
0x5c: {  	_ =	shalt  }
0x5d: {  	_ =	shalt  }
0x5e: {  	_ =	shalt  }
0x5f: {  	_ =	shalt  }
0x60: {  	_ =	shalt  }
0x61: {  	_ =	shalt  }
0x62: {  	_ =	shalt  }
0x63: {  	_ =	shalt  }
0x64: {  	_ =	shalt  }
0x65: {  	_ =	shalt  }
0x66: {  	_ =	shalt  }
0x67: {  	_ =	shalt  }
0x68: {  	_ =	shalt  }
0x69: {  	_ =	shalt  }
0x6a: {  	_ =	shalt  }
0x6b: {  	_ =	shalt  }
0x6c: {  	_ =	shalt  }
0x6d: {  	_ =	shalt  }
0x6e: {  	_ =	shalt  }
0x6f: {  	_ =	shalt  }
0x70: {  	_ =	shalt  }
0x71: {  	_ =	shalt  }
0x72: {  	_ =	shalt  }
0x73: {  	_ =	shalt  }
0x74: {  	_ =	shalt  }
0x75: {  	_ =	shalt  }
0x76: {  	_ =	shalt  }
0x77: {  	_ =	shalt  }
0x78: {  	_ =	shalt  }
0x79: {  	_ =	shalt  }
0x7a: {  	_ =	shalt  }
0x7b: {  	_ =	shalt  }
0x7c: {  	_ =	shalt  }
0x7d: {  	_ =	shalt  }
0x7e: {  	_ =	shalt  }
0x7f: {  	_ =	shalt  }
0x80: {  	_ =	shalt  }
0x81: {  	_ =	shalt  }
0x82: {  	_ =	shalt  }
0x83: {  	_ =	shalt  }
0x84: {  	_ =	shalt  }
0x85: {  	_ =	shalt  }
0x86: {  	_ =	shalt  }
0x87: {  	_ =	shalt  }
.Lfunc_end0:
.L_simem_size_0:
called_computation_lowered:
.L_overlay_start_0:
0x88: {  	s2 =	sld [smem:$0x3FD9]  }
0x89: {  	s3 =	sld [smem:$0x3FFE];
	_ =	sdelay $0x1  }
0x8a: {  	s1 =	srdreg.scid  }
0x8b: {  	s0 =	sand.u32 $0x1, s1  }
0x8c: {  	s18 =	sshll.u32 s0, $0xA;
	s2 =	sadd.s32 s3, s2  }
0x8d: {  	s2 =	sadd.s32 s2, s18  }
0x8e: {  	[smem:$0x3FC7] =	sst s2  }
0x8f: {  	_ = 	snop  }
0x90: {  	s2 =	sld [smem:$0x3FC9]  }
0x91: {  	s19 =	sld [smem:$0x3FD0];
	(tm) =	ssettm $0x1  }
0x92: {  	s4 =	sld [smem:$0x3FFB];
	_ =	sdelay $0x3  }
0x93: {  	_ =	strace s4  }
0x94: {  	s4 =	sld [smem:$0x3FFC];
	_ =	sdelay $0x3  }
0x95: {  	_ =	strace s4  }
0x96: {  	s4 =	sld [smem:$0x3FFD];
	_ =	sdelay $0x3  }
0x97: {  	_ =	strace s4  }
0x98: {  	_ =	strace $0x8FFFFFFF  }
0x99: {  	s20 =	sld [smem:$0x3FDB];
	_ =	sdelay $0x1  }
0x9a: {  	s5 =	simm.s32 $_scs_section_size  }
0x9b: {  	s6 =	simm.s32 $_size__tile_overlayer_lowered;
	s7 =	simm.s32 $_tile_overlayer_lowered  }
0x9c: {  	s23 =	simm.s32 $0x1BFF;
	s22 =	sshll.u32 s7, $0x1;
	s4 =	sadd.s32 s5, s20  }
0x9d: {  	s8 =	simm.s32 $0x0;
	s21 =	sshll.u32 s6, $0x1;
	s6 =	sadd.s32 s22, s4  }
0x9e: {  	[timem:s8], [sflag:s23] =	dma.local [hbm:s6], s21  }
0x9f: {  	_ =	swait.ge [sflag:s23], s21  }
0xa0: {  	s5 =	ssub.s32 $0x0, s21;
	[sflag:s23] =	ssyncset.done $0x0  }
0xa1: {  	[sflag:s23] =	ssyncadd.s32 s5;
	_ =	sdelay $0x1  }
0xa2: {  	s24 =	simm.s32 $0x1B8B  }
0xa3: {  	_ =	swait.ge [sflag:s24], $0x1  }
0xa4: {  	[sflag:s24] =	ssyncset.done $0x0  }
0xa5: {  	s25 =	simm.s32 $0x1B8E;
	[sflag:s24] =	ssyncadd.s32 $0xFFFFFFFF  }
0xa6: {  	s26 =	simm.s32 $execute0_lowered;
	[smem:$0x3FD2] =	sst s25  }
0xa7: {  	s5 =	sshll.u32 s26, $0x1;
	_ =	strace $0x80000046;
	[dreg:$0x1] =	wrdreg $0xFFFFFFFF  }
0xa8: {  	s28 =	simm.s32 $_size_execute0_lowered;
	s4 =	sadd.s32 s4, s5;
	[dreg:$0x0] =	wrdreg $0x0  }
0xa9: {  	s5 =	sshll.u32 s28, $0x1;
	[dreg:$0x2] =	wrdreg s4  }
0xaa: {  	[dreg:$0x3] =	wrdreg s5  }
0xab: {  	[dreg:$0x4] =	wrdreg $0xC0  }
0xac: {  	_ =	task [dreg:s8], $0x5FFFF  }
0xad: {  	[dreg:$0x1] =	wrdreg $0xFFFFFFFF  }
0xae: {  	[dreg:$0x0] =	wrdreg $0x60  }
0xaf: {  	[dreg:$0x2] =	wrdreg s2  }
0xb0: {  	[dreg:$0x3] =	wrdreg s19  }
0xb1: {  	[dreg:$0x4] =	wrdreg $0x9  }
0xb2: {  	_ =	task.clear_ibuf [dreg:s8], $0x5FFFF;
	_ =	strace $0x90000046  }
0xb3: {  	s29 =	simm.s32 $0x9;
	_ =	strace $0x80000048  }
0xb4: {  	_ =	swait.ge [sflag:s29], $0x1  }
0xb5: {  	[sflag:s29] =	ssyncadd.s32 $0xFFFFFFFF  }
0xb6: {  	_ =	strace $0x90000048  }
0xb7: {  	_ =	sfence  }
0xb8: {  	s30 =	sld [smem:$0x0];
	_ =	sdelay $0x2  }
0xb9: {  	s31 =	sshll.u32 s1, $0xD;
	s1 =	sshrl.u32 s1, $0x2  }
0xba: {  	s3 =	sand.u32 $0x4000, s31;
	s1 =	sadd.s32 s1, s30  }
0xbb: {  	s0 =	sor.u32 s3, s0;
	s1 =	sshll.u32 s1, $0x11  }
0xbc: {  	s0 =	sor.u32 s1, s0  }
0xbd: {  	s0 =	sadd.s32 $0x8F2B, s0  }
0xbe: {  	[sflag:s0] =	ssyncadd.remote.s32 $0x1  }
0xbf: {  	_ =	sfence.sel $0xFFFF  }
0xc0: {  	[dreg:$0x0] =	wrdreg $0xFFFFFFFF;
	(pc) =	sbr.abs _section_cstart, $3  }
0xc1: {  	[dreg:$0x1] =	wrdreg $0xFFFFFFFF  }
0xc2: {  	_ =	task.clear_ibuf [dreg:s8], $0x2FFFF;
	_ =	strace $0x9FFFFFFF  }
0xc3: {  	(tm) =	ssettm $0x7FFFFFFF  }
tec
execute0_lowered:
.L_overlay_start_1:
0x0: {  	(tag) =	ssettag $0x1  }
0x1: {  	s3 =	rddreg [dreg:$0x0]  }
0x2: {  	s0 =	rddreg [dreg:$0x1];
	s1 =	srdreg.scid  }
0x3: {  	s4 =	stileid.u32;
	s2 =	simm.s32 $0x0;
	s31 =	simm.s32 $0x3  }
0x4: {  	s29 =	simm.s32 $0x4;
	p0 =	por $0x0, $0x0;
	s5 =	sand.u32 $0x1, s1  }
0x5: {  	s30 =	simm.s32 $0x5;
	s12 =	sshll.u32 s4, $0x10;
	s13 =	sshll.u32 s5, $0xF  }
0x6: {  	s28 =	simm.s32 $0x6;
	[smem:$0x7FF] =	sst s2;
	s4 =	sor.u32 s13, s12  }
0x7: {  	_ =	strace $0x80000047;
	s5 =	ssub.s32 $0x2, s5;
	s1 =	sadd.s32 s3, s4  }
0x8: {  	s6 =	sor.u32 $0x800, s4;
	s20 =	sadd.s32 s0, s4;
	[dreg:$0x3] =	wrdreg s1  }
0x9: {  	s7 =	sor.u32 $0x1000, s4;
	s14 =	sadd.s32 s3, s6;
	[dreg:$0xa] =	wrdreg s20  }
0xa: {  	s8 =	sor.u32 $0x1800, s4;
	s15 =	sadd.s32 s3, s7;
	[dreg:$0x4] =	wrdreg s14  }
0xb: {  	s9 =	sor.u32 $0x2000, s4;
	s16 =	sadd.s32 s3, s8;
	[dreg:$0x5] =	wrdreg s15  }
0xc: {  	s10 =	sor.u32 $0x2800, s4;
	s17 =	sadd.s32 s3, s9;
	[dreg:$0x6] =	wrdreg s16  }
0xd: {  	s11 =	sor.u32 $0x3000, s4;
	s18 =	sadd.s32 s3, s10;
	[dreg:$0x7] =	wrdreg s17  }
0xe: {  	s12 =	sor.u32 $0x3800, s4;
	s19 =	sadd.s32 s3, s11;
	[dreg:$0x8] =	wrdreg s18  }
0xf: {  	s23 =	sor.u32 $0x4000, s4;
	s21 =	sadd.s32 s3, s12;
	[dreg:$0x9] =	wrdreg s19  }
0x10: {  	s22 =	sadd.s32 s0, s6;
	s25 =	sadd.s32 s0, s9;
	[dreg:$0xb] =	wrdreg s21  }
0x11: {  	s9 =	sor.u32 $0x5800, s4;
	s13 =	sadd.s32 s0, s10;
	[dreg:$0xc] =	wrdreg s22  }
0x12: {  	s20 =	sadd.s32 s0, s12;
	s6 =	simm.s32 $0x4000;
	[dreg:$0x12] =	wrdreg s25  }
0x13: {  	s12 =	simm.s32 $0xA;
	s10 =	simm.s32 $0xB;
	[dreg:$0x14] =	wrdreg s13  }
0x14: {  	s14 =	sadd.s32 s3, s23;
	s15 =	sadd.s32 s0, s7;
	[dreg:$0x18] =	wrdreg s20  }
0x15: {  	s7 =	sor.u32 $0x4800, s4;
	s17 =	sadd.s32 s0, s8;
	s1 =	rddreg [dreg:$0x3]  }
0x16: {  	s18 =	sor.u32 $0x5000, s4;
	s26 =	sadd.s32 s3, s9;
	[dreg:$0xd] =	wrdreg s14  }
0x17: {  	s21 =	sor.u32 $0x7000, s4;
	s13 =	sshrl.u32 s5, $0x1;
	[dreg:$0xe] =	wrdreg s15  }
0x18: {  	s23 =	sadd.s32 s0, s23;
	s25 =	sor.u32 $0x7800, s4;
	[dreg:$0x10] =	wrdreg s17  }
0x19: {  	s16 =	sadd.s32 s3, s7;
	s24 =	sadd.s32 s3, s18;
	[dreg:$0x13] =	wrdreg s26  }
0x1a: {  	s14 =	sor.u32 $0x6000, s4;
	s17 =	sor.u32 $0x6800, s4;
	s22 =	sadd.s32 s3, s21  }
0x1b: {  	[dreg:$0x1a] =	wrdreg s23;
	s20 =	sadd.s32 s0, s7;
	s18 =	sadd.s32 s0, s18  }
0x1c: {  	s7 =	sadd.s32 s0, s21;
	s23 =	simm.s32 $0x10000;
	[dreg:$0xf] =	wrdreg s16  }
0x1d: {  	s21 =	simm.s32 $0x14000;
	s4 =	simm.s32 $0x8;
	[dreg:$0x11] =	wrdreg s24  }
0x1e: {  	s15 =	sadd.s32 s3, s14;
	s16 =	sadd.s32 s0, s11;
	s19 =	sadd.s32 s3, s17  }
0x1f: {  	[dreg:$0x19] =	wrdreg s22;
	s24 =	ssub.s32 s5, s13;
	s22 =	sadd.s32 s3, s25  }
0x20: {  	s8 =	sadd.s32 s0, s17;
	s5 =	sadd.s32 s0, s25;
	s26 =	smax.u32 s24, $0x1  }
0x21: {  	s25 =	simm.s32 $0x8000;
	s17 =	simm.s32 $0x1;
	p1 =	sne.s32 s26, $0x1  }
.Ltmp0:
0x22: {  	s3 =	simm.s32 $0x9;
	[dreg:$0x15] =	wrdreg s15;
	(pc) =	sbr.rel @!p1 .LBB2_3-.Ltmp0, $4  }
0x23: {  	s13 =	simm.s32 $0xD;
	s11 =	simm.s32 $0xE;
	[dreg:$0x16] =	wrdreg s16  }
0x24: {  	[dreg:$0x17] =	wrdreg s19;
	s16 =	sadd.s32 s0, s9;
	s9 =	sadd.s32 s0, s14  }
0x25: {  	s24 =	simm.s32 $0xC000;
	s19 =	simm.s32 $0x18000;
	s14 =	simm.s32 $0x2  }
0x26: {  	s15 =	simm.s32 $0xC;
	s0 =	sadd.s32 $0xFFFFFFFF, s26;
	s26 =	simm.s32 $0x7  }
0x27: {  	[dreg:$0x1b] =	wrdreg s0  }
0x28: {  	[tilespmem:s2], [sflag:$0x1] =	stream.linear.gather [hbm4b:s1+s2], $0x4000, $0x38;
	[tilespmem:$0x1C000] =	vst v63  }
0x29: {  	s0 =	rddreg [dreg:$0x4]  }
0x2a: {  	[tilespmem:s6], [sflag:$0x2] =	stream.linear.gather [hbm4b:s0+s2], $0x4000, $0x38;
	[tilespmem:$0x1C000] =	vst v63  }
0x2b: {  	s1 =	rddreg [dreg:$0x5]  }
0x2c: {  	[tilespmem:s25], [sflag:$0x3] =	stream.linear.gather [hbm4b:s1+s2], $0x4000, $0x38;
	[tilespmem:$0x1C000] =	vst v63  }
0x2d: {  	s0 =	rddreg [dreg:$0x6]  }
0x2e: {  	[tilespmem:s24], [sflag:$0x4] =	stream.linear.gather [hbm4b:s0+s2], $0x4000, $0x38;
	[tilespmem:$0x1C000] =	vst v63  }
0x2f: {  	s1 =	rddreg [dreg:$0x7]  }
0x30: {  	[tilespmem:s23], [sflag:$0x5] =	stream.linear.gather [hbm4b:s1+s2], $0x4000, $0x38;
	[tilespmem:$0x1C000] =	vst v63  }
0x31: {  	s0 =	rddreg [dreg:$0x8]  }
0x32: {  	[tilespmem:s21], [sflag:$0x6] =	stream.linear.gather [hbm4b:s0+s2], $0x4000, $0x38;
	[tilespmem:$0x1C000] =	vst v63  }
0x33: {  	s1 =	rddreg [dreg:$0x9]  }
0x34: {  	[tilespmem:s19], [sflag:$0x7] =	stream.linear.gather [hbm4b:s1+s2], $0x4000, $0x38;
	[tilespmem:$0x1C000] =	vst v63  }
0x35: {  	_ =	swait.ge [sflag:s17], $0x4000  }
0x36: {  	[sflag:s17] =	ssyncset.done $0x0  }
0x37: {  	s1 =	rddreg [dreg:$0xa];
	[sflag:s17] =	ssyncadd.s32 $0xFFFFC000  }
0x38: {  	[hbm4b:s1+s2] =	stream.linear.scatter [tilespmem:s2], [sflag:$0x8], $0x4000, $0x38;
	[tilespmem:$0x1C000] =	vst v63  }
0x39: {  	_ =	swait.ge [sflag:s4], $0x4000  }
0x3a: {  	[sflag:s4] =	ssyncset.done $0x0  }
0x3b: {  	s1 =	rddreg [dreg:$0xb];
	[sflag:s4] =	ssyncadd.s32 $0xFFFFC000  }
0x3c: {  	[tilespmem:s2], [sflag:$0x1] =	stream.linear.gather [hbm4b:s1+s2], $0x4000, $0x38;
	[tilespmem:$0x1C000] =	vst v63  }
0x3d: {  	_ =	swait.ge [sflag:s14], $0x4000  }
0x3e: {  	[sflag:s14] =	ssyncset.done $0x0  }
0x3f: {  	s1 =	rddreg [dreg:$0xc];
	[sflag:s14] =	ssyncadd.s32 $0xFFFFC000  }
0x40: {  	[hbm4b:s1+s2] =	stream.linear.scatter [tilespmem:s6], [sflag:$0x9], $0x4000, $0x38;
	[tilespmem:$0x1C000] =	vst v63  }
0x41: {  	_ =	swait.ge [sflag:s3], $0x4000  }
0x42: {  	[sflag:s3] =	ssyncset.done $0x0  }
0x43: {  	s1 =	rddreg [dreg:$0xd];
	[sflag:s3] =	ssyncadd.s32 $0xFFFFC000  }
0x44: {  	[tilespmem:s6], [sflag:$0x2] =	stream.linear.gather [hbm4b:s1+s2], $0x4000, $0x38;
	[tilespmem:$0x1C000] =	vst v63  }
0x45: {  	_ =	swait.ge [sflag:s31], $0x4000  }
0x46: {  	[sflag:s31] =	ssyncset.done $0x0  }
0x47: {  	s1 =	rddreg [dreg:$0xe];
	[sflag:s31] =	ssyncadd.s32 $0xFFFFC000  }
0x48: {  	[hbm4b:s1+s2] =	stream.linear.scatter [tilespmem:s25], [sflag:$0xA], $0x4000, $0x38;
	[tilespmem:$0x1C000] =	vst v63  }
0x49: {  	_ =	swait.ge [sflag:s12], $0x4000  }
0x4a: {  	[sflag:s12] =	ssyncset.done $0x0  }
0x4b: {  	s1 =	rddreg [dreg:$0xf];
	[sflag:s12] =	ssyncadd.s32 $0xFFFFC000  }
0x4c: {  	[tilespmem:s25], [sflag:$0x3] =	stream.linear.gather [hbm4b:s1+s2], $0x4000, $0x38;
	[tilespmem:$0x1C000] =	vst v63  }
0x4d: {  	_ =	swait.ge [sflag:s29], $0x4000  }
0x4e: {  	[sflag:s29] =	ssyncset.done $0x0  }
0x4f: {  	s1 =	rddreg [dreg:$0x10];
	[sflag:s29] =	ssyncadd.s32 $0xFFFFC000  }
0x50: {  	[hbm4b:s1+s2] =	stream.linear.scatter [tilespmem:s24], [sflag:$0xB], $0x4000, $0x38;
	[tilespmem:$0x1C000] =	vst v63  }
0x51: {  	_ =	swait.ge [sflag:s10], $0x4000  }
0x52: {  	[sflag:s10] =	ssyncset.done $0x0  }
0x53: {  	s1 =	rddreg [dreg:$0x11];
	[sflag:s10] =	ssyncadd.s32 $0xFFFFC000  }
0x54: {  	[tilespmem:s24], [sflag:$0x4] =	stream.linear.gather [hbm4b:s1+s2], $0x4000, $0x38;
	[tilespmem:$0x1C000] =	vst v63  }
0x55: {  	_ =	swait.ge [sflag:s30], $0x4000  }
0x56: {  	[sflag:s30] =	ssyncset.done $0x0  }
0x57: {  	s1 =	rddreg [dreg:$0x12];
	[sflag:s30] =	ssyncadd.s32 $0xFFFFC000  }
0x58: {  	[hbm4b:s1+s2] =	stream.linear.scatter [tilespmem:s23], [sflag:$0xC], $0x4000, $0x38;
	[tilespmem:$0x1C000] =	vst v63  }
0x59: {  	_ =	swait.ge [sflag:s15], $0x4000  }
0x5a: {  	[sflag:s15] =	ssyncset.done $0x0  }
0x5b: {  	s1 =	rddreg [dreg:$0x13];
	[sflag:s15] =	ssyncadd.s32 $0xFFFFC000  }
0x5c: {  	[tilespmem:s23], [sflag:$0x5] =	stream.linear.gather [hbm4b:s1+s2], $0x4000, $0x38;
	[tilespmem:$0x1C000] =	vst v63  }
0x5d: {  	_ =	swait.ge [sflag:s28], $0x4000  }
0x5e: {  	[sflag:s28] =	ssyncset.done $0x0  }
0x5f: {  	s1 =	rddreg [dreg:$0x14];
	[sflag:s28] =	ssyncadd.s32 $0xFFFFC000  }
0x60: {  	[hbm4b:s1+s2] =	stream.linear.scatter [tilespmem:s21], [sflag:$0xD], $0x4000, $0x38;
	[tilespmem:$0x1C000] =	vst v63  }
0x61: {  	_ =	swait.ge [sflag:s13], $0x4000  }
0x62: {  	[sflag:s13] =	ssyncset.done $0x0  }
0x63: {  	s1 =	rddreg [dreg:$0x15];
	[sflag:s13] =	ssyncadd.s32 $0xFFFFC000  }
0x64: {  	[tilespmem:s21], [sflag:$0x6] =	stream.linear.gather [hbm4b:s1+s2], $0x4000, $0x38;
	[tilespmem:$0x1C000] =	vst v63  }
0x65: {  	_ =	swait.ge [sflag:s26], $0x4000  }
0x66: {  	[sflag:s26] =	ssyncset.done $0x0  }
0x67: {  	s1 =	rddreg [dreg:$0x16];
	[sflag:s26] =	ssyncadd.s32 $0xFFFFC000  }
0x68: {  	[hbm4b:s1+s2] =	stream.linear.scatter [tilespmem:s19], [sflag:$0xE], $0x4000, $0x38;
	[tilespmem:$0x1C000] =	vst v63  }
0x69: {  	_ =	swait.ge [sflag:s11], $0x4000  }
0x6a: {  	[sflag:s11] =	ssyncset.done $0x0  }
0x6b: {  	s1 =	rddreg [dreg:$0x17];
	[sflag:s11] =	ssyncadd.s32 $0xFFFFC000  }
0x6c: {  	[tilespmem:s19], [sflag:$0x7] =	stream.linear.gather [hbm4b:s1+s2], $0x4000, $0x38;
	[tilespmem:$0x1C000] =	vst v63  }
0x6d: {  	_ =	swait.ge [sflag:s17], $0x4000  }
0x6e: {  	[sflag:s17] =	ssyncset.done $0x0  }
0x6f: {  	s1 =	rddreg [dreg:$0x18];
	[sflag:s17] =	ssyncadd.s32 $0xFFFFC000  }
0x70: {  	[hbm4b:s1+s2] =	stream.linear.scatter [tilespmem:s2], [sflag:$0x8], $0x4000, $0x38;
	[tilespmem:$0x1C000] =	vst v63  }
0x71: {  	_ =	swait.ge [sflag:s4], $0x4000  }
0x72: {  	[sflag:s4] =	ssyncset.done $0x0  }
0x73: {  	s1 =	rddreg [dreg:$0x19];
	[sflag:s4] =	ssyncadd.s32 $0xFFFFC000  }
0x74: {  	[tilespmem:s2], [sflag:$0x1] =	stream.linear.gather [hbm4b:s1+s2], $0x4000, $0x38;
	[tilespmem:$0x1C000] =	vst v63  }
0x75: {  	_ =	swait.ge [sflag:s14], $0x4000  }
0x76: {  	[sflag:s14] =	ssyncset.done $0x0  }
0x77: {  	s1 =	rddreg [dreg:$0x1a];
	[sflag:s14] =	ssyncadd.s32 $0xFFFFC000  }
0x78: {  	[hbm4b:s1+s2] =	stream.linear.scatter [tilespmem:s6], [sflag:$0x9], $0x4000, $0x38;
	[tilespmem:$0x1C000] =	vst v63  }
0x79: {  	_ =	swait.ge [sflag:s3], $0x4000  }
0x7a: {  	[sflag:s3] =	ssyncset.done $0x0  }
0x7b: {  	[sflag:s3] =	ssyncadd.s32 $0xFFFFC000  }
0x7c: {  	[tilespmem:s6], [sflag:$0x2] =	stream.linear.gather [hbm4b:s22+s2], $0x4000, $0x38;
	[tilespmem:$0x1C000] =	vst v63  }
0x7d: {  	_ =	swait.ge [sflag:s31], $0x4000  }
0x7e: {  	[sflag:s31] =	ssyncset.done $0x0  }
0x7f: {  	[sflag:s31] =	ssyncadd.s32 $0xFFFFC000  }
0x80: {  	[hbm4b:s20+s2] =	stream.linear.scatter [tilespmem:s25], [sflag:$0xA], $0x4000, $0x38;
	[tilespmem:$0x1C000] =	vst v63  }
0x81: {  	_ =	swait.ge [sflag:s29], $0x4000  }
0x82: {  	[sflag:s29] =	ssyncset.done $0x0  }
0x83: {  	[sflag:s29] =	ssyncadd.s32 $0xFFFFC000  }
0x84: {  	[hbm4b:s18+s2] =	stream.linear.scatter [tilespmem:s24], [sflag:$0xB], $0x4000, $0x38;
	[tilespmem:$0x1C000] =	vst v63  }
0x85: {  	_ =	swait.ge [sflag:s30], $0x4000  }
0x86: {  	[sflag:s30] =	ssyncset.done $0x0  }
0x87: {  	[sflag:s30] =	ssyncadd.s32 $0xFFFFC000  }
0x88: {  	[hbm4b:s16+s2] =	stream.linear.scatter [tilespmem:s23], [sflag:$0xC], $0x4000, $0x38;
	[tilespmem:$0x1C000] =	vst v63  }
0x89: {  	_ =	swait.ge [sflag:s28], $0x4000  }
0x8a: {  	[sflag:s28] =	ssyncset.done $0x0  }
0x8b: {  	[sflag:s28] =	ssyncadd.s32 $0xFFFFC000  }
0x8c: {  	[hbm4b:s9+s2] =	stream.linear.scatter [tilespmem:s21], [sflag:$0xD], $0x4000, $0x38;
	[tilespmem:$0x1C000] =	vst v63  }
0x8d: {  	_ =	swait.ge [sflag:s26], $0x4000  }
0x8e: {  	[sflag:s26] =	ssyncset.done $0x0  }
0x8f: {  	[sflag:s26] =	ssyncadd.s32 $0xFFFFC000  }
0x90: {  	[hbm4b:s8+s2] =	stream.linear.scatter [tilespmem:s19], [sflag:$0xE], $0x4000, $0x38;
	[tilespmem:$0x1C000] =	vst v63  }
0x91: {  	_ =	swait.ge [sflag:s17], $0x4000  }
0x92: {  	[sflag:s17] =	ssyncset.done $0x0  }
0x93: {  	[sflag:s17] =	ssyncadd.s32 $0xFFFFC000  }
0x94: {  	[hbm4b:s7+s2] =	stream.linear.scatter [tilespmem:s2], [sflag:$0x8], $0x4000, $0x38;
	[tilespmem:$0x1C000] =	vst v63  }
0x95: {  	_ =	swait.ge [sflag:s14], $0x4000  }
0x96: {  	[sflag:s14] =	ssyncset.done $0x0  }
0x97: {  	[sflag:s14] =	ssyncadd.s32 $0xFFFFC000  }
0x98: {  	[hbm4b:s5+s2] =	stream.linear.scatter [tilespmem:s6], [sflag:$0x9], $0x4000, $0x38;
	[tilespmem:$0x1C000] =	vst v63  }
0x99: {  	_ =	swait.ge [sflag:s12], $0x4000  }
0x9a: {  	[sflag:s12] =	ssyncset.done $0x0  }
0x9b: {  	[sflag:s12] =	ssyncadd.s32 $0xFFFFC000  }
0x9c: {  	_ =	swait.ge [sflag:s10], $0x4000  }
0x9d: {  	[sflag:s10] =	ssyncset.done $0x0  }
0x9e: {  	[sflag:s10] =	ssyncadd.s32 $0xFFFFC000  }
0x9f: {  	_ =	swait.ge [sflag:s15], $0x4000  }
0xa0: {  	[sflag:s15] =	ssyncset.done $0x0  }
0xa1: {  	[sflag:s15] =	ssyncadd.s32 $0xFFFFC000  }
0xa2: {  	_ =	swait.ge [sflag:s13], $0x4000  }
0xa3: {  	[sflag:s13] =	ssyncset.done $0x0  }
0xa4: {  	[sflag:s13] =	ssyncadd.s32 $0xFFFFC000  }
0xa5: {  	_ =	swait.ge [sflag:s11], $0x4000  }
0xa6: {  	[sflag:s11] =	ssyncset.done $0x0  }
0xa7: {  	[sflag:s11] =	ssyncadd.s32 $0xFFFFC000  }
0xa8: {  	_ =	swait.ge [sflag:s4], $0x4000  }
0xa9: {  	s1 =	rddreg [dreg:$0x1b]  }
0xaa: {  	p1 =	sne.s32 s1, $0x1  }
.Ltmp1:
0xab: {  	_ = 	snop;
	(pc) =	sbr.rel @!p1 .LBB2_3-.Ltmp1, $4  }
0xac: {  	[sflag:s4] =	ssyncset.done $0x0  }
0xad: {  	[sflag:s4] =	ssyncadd.s32 $0xFFFFC000  }
0xae: {  	p0 =	por $0x1, $0x1;
	_ =	swait.ge [sflag:s3], $0x4000  }
0xaf: {  	s0 =	sadd.s32 $0xFFFFFFFF, s1;
	s1 =	rddreg [dreg:$0x3];
	[sflag:s3] =	ssyncset.done $0x0  }
.LBB2_2:
0xb0: {  	[sflag:s3] =	ssyncadd.s32 $0xFFFFC000  }
0xb1: {  	s19 =	smov.u32 s22;
	s22 =	smov.u32 s20;
	s20 =	smov.u32 s18  }
0xb2: {  	s18 =	smov.u32 s16;
	s16 =	smov.u32 s9;
	s9 =	smov.u32 s8  }
0xb3: {  	s8 =	smov.u32 s7;
	s7 =	smov.u32 s5;
	s5 =	rddreg [dreg:$0x4]  }
0xb4: {  	[tilespmem:s2], [sflag:$0x1] =	stream.linear.gather [hbm4b:s1+s2], $0x4000, $0x38;
	[tilespmem:$0x1C000] =	vst v63  }
0xb5: {  	s1 =	rddreg [dreg:$0x5]  }
0xb6: {  	[tilespmem:s6], [sflag:$0x2] =	stream.linear.gather [hbm4b:s5+s2], $0x4000, $0x38;
	[tilespmem:$0x1C000] =	vst v63  }
0xb7: {  	s5 =	rddreg [dreg:$0x6]  }
0xb8: {  	[tilespmem:s25], [sflag:$0x3] =	stream.linear.gather [hbm4b:s1+s2], $0x4000, $0x38;
	[tilespmem:$0x1C000] =	vst v63  }
0xb9: {  	s1 =	rddreg [dreg:$0x7]  }
0xba: {  	[tilespmem:s24], [sflag:$0x4] =	stream.linear.gather [hbm4b:s5+s2], $0x4000, $0x38;
	[tilespmem:$0x1C000] =	vst v63  }
0xbb: {  	s5 =	rddreg [dreg:$0x8]  }
0xbc: {  	[tilespmem:s23], [sflag:$0x5] =	stream.linear.gather [hbm4b:s1+s2], $0x4000, $0x38;
	[tilespmem:$0x1C000] =	vst v63  }
0xbd: {  	s1 =	rddreg [dreg:$0x9]  }
0xbe: {  	[tilespmem:s21], [sflag:$0x6] =	stream.linear.gather [hbm4b:s5+s2], $0x4000, $0x38;
	[tilespmem:$0x1C000] =	vst v63  }
0xbf: {  	s5 =	smov.u32 s7;
	s7 =	smov.u32 s8;
	s8 =	smov.u32 s9  }
0xc0: {  	s9 =	smov.u32 s16;
	s16 =	smov.u32 s18;
	s18 =	smov.u32 s20  }
0xc1: {  	s20 =	smov.u32 s22;
	s22 =	smov.u32 s19;
	s19 =	simm.s32 $0x18000  }
0xc2: {  	[tilespmem:s19], [sflag:$0x7] =	stream.linear.gather [hbm4b:s1+s2], $0x4000, $0x38;
	[tilespmem:$0x1C000] =	vst v63  }
0xc3: {  	_ =	swait.ge [sflag:s17], $0x4000  }
0xc4: {  	[sflag:s17] =	ssyncset.done $0x0  }
0xc5: {  	s1 =	rddreg [dreg:$0xa];
	[sflag:s17] =	ssyncadd.s32 $0xFFFFC000  }
0xc6: {  	[hbm4b:s1+s2] =	stream.linear.scatter [tilespmem:s2], [sflag:$0x8], $0x4000, $0x38;
	[tilespmem:$0x1C000] =	vst v63  }
0xc7: {  	_ =	swait.ge [sflag:s4], $0x4000  }
0xc8: {  	[sflag:s4] =	ssyncset.done $0x0  }
0xc9: {  	s1 =	rddreg [dreg:$0xb];
	[sflag:s4] =	ssyncadd.s32 $0xFFFFC000  }
0xca: {  	[tilespmem:s2], [sflag:$0x1] =	stream.linear.gather [hbm4b:s1+s2], $0x4000, $0x38;
	[tilespmem:$0x1C000] =	vst v63  }
0xcb: {  	_ =	swait.ge [sflag:s14], $0x4000  }
0xcc: {  	[sflag:s14] =	ssyncset.done $0x0  }
0xcd: {  	s1 =	rddreg [dreg:$0xc];
	[sflag:s14] =	ssyncadd.s32 $0xFFFFC000  }
0xce: {  	[hbm4b:s1+s2] =	stream.linear.scatter [tilespmem:s6], [sflag:$0x9], $0x4000, $0x38;
	[tilespmem:$0x1C000] =	vst v63  }
0xcf: {  	_ =	swait.ge [sflag:s3], $0x4000  }
0xd0: {  	[sflag:s3] =	ssyncset.done $0x0  }
0xd1: {  	s1 =	rddreg [dreg:$0xd];
	[sflag:s3] =	ssyncadd.s32 $0xFFFFC000  }
0xd2: {  	[tilespmem:s6], [sflag:$0x2] =	stream.linear.gather [hbm4b:s1+s2], $0x4000, $0x38;
	[tilespmem:$0x1C000] =	vst v63  }
0xd3: {  	_ =	swait.ge [sflag:s31], $0x4000  }
0xd4: {  	[sflag:s31] =	ssyncset.done $0x0  }
0xd5: {  	s1 =	rddreg [dreg:$0xe];
	[sflag:s31] =	ssyncadd.s32 $0xFFFFC000  }
0xd6: {  	[hbm4b:s1+s2] =	stream.linear.scatter [tilespmem:s25], [sflag:$0xA], $0x4000, $0x38;
	[tilespmem:$0x1C000] =	vst v63  }
0xd7: {  	_ =	swait.ge [sflag:s12], $0x4000  }
0xd8: {  	[sflag:s12] =	ssyncset.done $0x0  }
0xd9: {  	s1 =	rddreg [dreg:$0xf];
	[sflag:s12] =	ssyncadd.s32 $0xFFFFC000  }
0xda: {  	[tilespmem:s25], [sflag:$0x3] =	stream.linear.gather [hbm4b:s1+s2], $0x4000, $0x38;
	[tilespmem:$0x1C000] =	vst v63  }
0xdb: {  	_ =	swait.ge [sflag:s29], $0x4000  }
0xdc: {  	[sflag:s29] =	ssyncset.done $0x0  }
0xdd: {  	s1 =	rddreg [dreg:$0x10];
	[sflag:s29] =	ssyncadd.s32 $0xFFFFC000  }
0xde: {  	[hbm4b:s1+s2] =	stream.linear.scatter [tilespmem:s24], [sflag:$0xB], $0x4000, $0x38;
	[tilespmem:$0x1C000] =	vst v63  }
0xdf: {  	_ =	swait.ge [sflag:s10], $0x4000  }
0xe0: {  	[sflag:s10] =	ssyncset.done $0x0  }
0xe1: {  	s1 =	rddreg [dreg:$0x11];
	[sflag:s10] =	ssyncadd.s32 $0xFFFFC000  }
0xe2: {  	[tilespmem:s24], [sflag:$0x4] =	stream.linear.gather [hbm4b:s1+s2], $0x4000, $0x38;
	[tilespmem:$0x1C000] =	vst v63  }
0xe3: {  	_ =	swait.ge [sflag:s30], $0x4000  }
0xe4: {  	[sflag:s30] =	ssyncset.done $0x0  }
0xe5: {  	s1 =	rddreg [dreg:$0x12];
	[sflag:s30] =	ssyncadd.s32 $0xFFFFC000  }
0xe6: {  	[hbm4b:s1+s2] =	stream.linear.scatter [tilespmem:s23], [sflag:$0xC], $0x4000, $0x38;
	[tilespmem:$0x1C000] =	vst v63  }
0xe7: {  	_ =	swait.ge [sflag:s15], $0x4000  }
0xe8: {  	[sflag:s15] =	ssyncset.done $0x0  }
0xe9: {  	s1 =	rddreg [dreg:$0x13];
	[sflag:s15] =	ssyncadd.s32 $0xFFFFC000  }
0xea: {  	[tilespmem:s23], [sflag:$0x5] =	stream.linear.gather [hbm4b:s1+s2], $0x4000, $0x38;
	[tilespmem:$0x1C000] =	vst v63  }
0xeb: {  	_ =	swait.ge [sflag:s28], $0x4000  }
0xec: {  	[sflag:s28] =	ssyncset.done $0x0  }
0xed: {  	s1 =	rddreg [dreg:$0x14];
	[sflag:s28] =	ssyncadd.s32 $0xFFFFC000  }
0xee: {  	[hbm4b:s1+s2] =	stream.linear.scatter [tilespmem:s21], [sflag:$0xD], $0x4000, $0x38;
	[tilespmem:$0x1C000] =	vst v63  }
0xef: {  	_ =	swait.ge [sflag:s13], $0x4000  }
0xf0: {  	[sflag:s13] =	ssyncset.done $0x0  }
0xf1: {  	s1 =	rddreg [dreg:$0x15];
	[sflag:s13] =	ssyncadd.s32 $0xFFFFC000  }
0xf2: {  	[tilespmem:s21], [sflag:$0x6] =	stream.linear.gather [hbm4b:s1+s2], $0x4000, $0x38;
	[tilespmem:$0x1C000] =	vst v63  }
0xf3: {  	_ =	swait.ge [sflag:s26], $0x4000  }
0xf4: {  	[sflag:s26] =	ssyncset.done $0x0  }
0xf5: {  	s1 =	rddreg [dreg:$0x16];
	[sflag:s26] =	ssyncadd.s32 $0xFFFFC000  }
0xf6: {  	[hbm4b:s1+s2] =	stream.linear.scatter [tilespmem:s19], [sflag:$0xE], $0x4000, $0x38;
	[tilespmem:$0x1C000] =	vst v63  }
0xf7: {  	_ =	swait.ge [sflag:s11], $0x4000  }
0xf8: {  	[sflag:s11] =	ssyncset.done $0x0  }
0xf9: {  	s1 =	rddreg [dreg:$0x17];
	[sflag:s11] =	ssyncadd.s32 $0xFFFFC000  }
0xfa: {  	[tilespmem:s19], [sflag:$0x7] =	stream.linear.gather [hbm4b:s1+s2], $0x4000, $0x38;
	[tilespmem:$0x1C000] =	vst v63  }
0xfb: {  	_ =	swait.ge [sflag:s17], $0x4000  }
0xfc: {  	[sflag:s17] =	ssyncset.done $0x0  }
0xfd: {  	s1 =	rddreg [dreg:$0x18];
	[sflag:s17] =	ssyncadd.s32 $0xFFFFC000  }
0xfe: {  	[hbm4b:s1+s2] =	stream.linear.scatter [tilespmem:s2], [sflag:$0x8], $0x4000, $0x38;
	[tilespmem:$0x1C000] =	vst v63  }
0xff: {  	_ =	swait.ge [sflag:s4], $0x4000  }
0x100: {  	[sflag:s4] =	ssyncset.done $0x0  }
0x101: {  	s1 =	rddreg [dreg:$0x19];
	[sflag:s4] =	ssyncadd.s32 $0xFFFFC000  }
0x102: {  	[tilespmem:s2], [sflag:$0x1] =	stream.linear.gather [hbm4b:s1+s2], $0x4000, $0x38;
	[tilespmem:$0x1C000] =	vst v63  }
0x103: {  	_ =	swait.ge [sflag:s14], $0x4000  }
0x104: {  	[sflag:s14] =	ssyncset.done $0x0  }
0x105: {  	s1 =	rddreg [dreg:$0x1a];
	[sflag:s14] =	ssyncadd.s32 $0xFFFFC000  }
0x106: {  	[hbm4b:s1+s2] =	stream.linear.scatter [tilespmem:s6], [sflag:$0x9], $0x4000, $0x38;
	[tilespmem:$0x1C000] =	vst v63  }
0x107: {  	_ =	swait.ge [sflag:s3], $0x4000  }
0x108: {  	[sflag:s3] =	ssyncset.done $0x0  }
0x109: {  	[sflag:s3] =	ssyncadd.s32 $0xFFFFC000  }
0x10a: {  	[tilespmem:s6], [sflag:$0x2] =	stream.linear.gather [hbm4b:s22+s2], $0x4000, $0x38;
	[tilespmem:$0x1C000] =	vst v63  }
0x10b: {  	_ =	swait.ge [sflag:s31], $0x4000  }
0x10c: {  	[sflag:s31] =	ssyncset.done $0x0  }
0x10d: {  	[sflag:s31] =	ssyncadd.s32 $0xFFFFC000  }
0x10e: {  	[hbm4b:s20+s2] =	stream.linear.scatter [tilespmem:s25], [sflag:$0xA], $0x4000, $0x38;
	[tilespmem:$0x1C000] =	vst v63  }
0x10f: {  	_ =	swait.ge [sflag:s29], $0x4000  }
0x110: {  	[sflag:s29] =	ssyncset.done $0x0  }
0x111: {  	[sflag:s29] =	ssyncadd.s32 $0xFFFFC000  }
0x112: {  	[hbm4b:s18+s2] =	stream.linear.scatter [tilespmem:s24], [sflag:$0xB], $0x4000, $0x38;
	[tilespmem:$0x1C000] =	vst v63  }
0x113: {  	_ =	swait.ge [sflag:s30], $0x4000  }
0x114: {  	[sflag:s30] =	ssyncset.done $0x0  }
0x115: {  	[sflag:s30] =	ssyncadd.s32 $0xFFFFC000  }
0x116: {  	[hbm4b:s16+s2] =	stream.linear.scatter [tilespmem:s23], [sflag:$0xC], $0x4000, $0x38;
	[tilespmem:$0x1C000] =	vst v63  }
0x117: {  	_ =	swait.ge [sflag:s28], $0x4000  }
0x118: {  	[sflag:s28] =	ssyncset.done $0x0  }
0x119: {  	[sflag:s28] =	ssyncadd.s32 $0xFFFFC000  }
0x11a: {  	[hbm4b:s9+s2] =	stream.linear.scatter [tilespmem:s21], [sflag:$0xD], $0x4000, $0x38;
	[tilespmem:$0x1C000] =	vst v63  }
0x11b: {  	_ =	swait.ge [sflag:s26], $0x4000  }
0x11c: {  	[sflag:s26] =	ssyncset.done $0x0  }
0x11d: {  	[sflag:s26] =	ssyncadd.s32 $0xFFFFC000  }
0x11e: {  	[hbm4b:s8+s2] =	stream.linear.scatter [tilespmem:s19], [sflag:$0xE], $0x4000, $0x38;
	[tilespmem:$0x1C000] =	vst v63  }
0x11f: {  	_ =	swait.ge [sflag:s17], $0x4000  }
0x120: {  	[sflag:s17] =	ssyncset.done $0x0  }
0x121: {  	[sflag:s17] =	ssyncadd.s32 $0xFFFFC000  }
0x122: {  	[hbm4b:s7+s2] =	stream.linear.scatter [tilespmem:s2], [sflag:$0x8], $0x4000, $0x38;
	[tilespmem:$0x1C000] =	vst v63  }
0x123: {  	_ =	swait.ge [sflag:s14], $0x4000  }
0x124: {  	[sflag:s14] =	ssyncset.done $0x0  }
0x125: {  	[sflag:s14] =	ssyncadd.s32 $0xFFFFC000  }
0x126: {  	[hbm4b:s5+s2] =	stream.linear.scatter [tilespmem:s6], [sflag:$0x9], $0x4000, $0x38;
	[tilespmem:$0x1C000] =	vst v63  }
0x127: {  	_ =	swait.ge [sflag:s12], $0x4000  }
0x128: {  	[sflag:s12] =	ssyncset.done $0x0  }
0x129: {  	[sflag:s12] =	ssyncadd.s32 $0xFFFFC000  }
0x12a: {  	_ =	swait.ge [sflag:s10], $0x4000  }
0x12b: {  	[sflag:s10] =	ssyncset.done $0x0  }
0x12c: {  	[sflag:s10] =	ssyncadd.s32 $0xFFFFC000  }
0x12d: {  	_ =	swait.ge [sflag:s15], $0x4000  }
0x12e: {  	[sflag:s15] =	ssyncset.done $0x0  }
0x12f: {  	[sflag:s15] =	ssyncadd.s32 $0xFFFFC000  }
0x130: {  	_ =	swait.ge [sflag:s13], $0x4000  }
0x131: {  	[sflag:s13] =	ssyncset.done $0x0  }
0x132: {  	[sflag:s13] =	ssyncadd.s32 $0xFFFFC000  }
0x133: {  	_ =	swait.ge [sflag:s11], $0x4000  }
0x134: {  	[sflag:s11] =	ssyncset.done $0x0  }
0x135: {  	p1 =	sne.s32 s0, $0x1;
	[sflag:s11] =	ssyncadd.s32 $0xFFFFC000  }
.Ltmp2:
0x136: {  	_ =	swait.ge [sflag:s4], $0x4000;
	(pc) =	sbr.rel @p1 .LBB2_2-.Ltmp2, $4  }
0x137: {  	[sflag:s4] =	ssyncset.done $0x0  }
0x138: {  	[sflag:s4] =	ssyncadd.s32 $0xFFFFC000  }
0x139: {  	_ =	swait.ge [sflag:s3], $0x4000  }
0x13a: {  	s0 =	sadd.s32 $0xFFFFFFFF, s0;
	s1 =	rddreg [dreg:$0x3];
	[sflag:s3] =	ssyncset.done $0x0  }
.LBB2_3:
0x13b: {  	[sflag:s3] =	ssyncadd.s32 @p0 $0xFFFFC000  }
0x13c: {  	[tilespmem:s2], [sflag:$0x1] =	stream.linear.gather [hbm4b:s1+s2], $0x4000, $0x38;
	[tilespmem:$0x1C000] =	vst v63  }
0x13d: {  	s0 =	rddreg [dreg:$0x4]  }
0x13e: {  	[tilespmem:s6], [sflag:$0x2] =	stream.linear.gather [hbm4b:s0+s2], $0x4000, $0x38;
	[tilespmem:$0x1C000] =	vst v63  }
0x13f: {  	s1 =	rddreg [dreg:$0x5]  }
0x140: {  	[tilespmem:s25], [sflag:$0x3] =	stream.linear.gather [hbm4b:s1+s2], $0x4000, $0x38;
	[tilespmem:$0x1C000] =	vst v63  }
0x141: {  	s0 =	rddreg [dreg:$0x6]  }
0x142: {  	[tilespmem:s24], [sflag:$0x4] =	stream.linear.gather [hbm4b:s0+s2], $0x4000, $0x38;
	[tilespmem:$0x1C000] =	vst v63  }
0x143: {  	s1 =	rddreg [dreg:$0x7]  }
0x144: {  	[tilespmem:s23], [sflag:$0x5] =	stream.linear.gather [hbm4b:s1+s2], $0x4000, $0x38;
	[tilespmem:$0x1C000] =	vst v63  }
0x145: {  	s0 =	rddreg [dreg:$0x8]  }
0x146: {  	[tilespmem:s21], [sflag:$0x6] =	stream.linear.gather [hbm4b:s0+s2], $0x4000, $0x38;
	[tilespmem:$0x1C000] =	vst v63  }
0x147: {  	s1 =	rddreg [dreg:$0x9]  }
0x148: {  	[tilespmem:s19], [sflag:$0x7] =	stream.linear.gather [hbm4b:s1+s2], $0x4000, $0x38;
	[tilespmem:$0x1C000] =	vst v63  }
0x149: {  	_ =	swait.ge [sflag:s17], $0x4000  }
0x14a: {  	[sflag:s17] =	ssyncset.done $0x0  }
0x14b: {  	s1 =	rddreg [dreg:$0xa];
	[sflag:s17] =	ssyncadd.s32 $0xFFFFC000  }
0x14c: {  	[hbm4b:s1+s2] =	stream.linear.scatter [tilespmem:s2], [sflag:$0x8], $0x4000, $0x38;
	[tilespmem:$0x1C000] =	vst v63  }
0x14d: {  	_ =	swait.ge [sflag:s4], $0x4000  }
0x14e: {  	[sflag:s4] =	ssyncset.done $0x0  }
0x14f: {  	s1 =	rddreg [dreg:$0xb];
	[sflag:s4] =	ssyncadd.s32 $0xFFFFC000  }
0x150: {  	[tilespmem:s2], [sflag:$0x1] =	stream.linear.gather [hbm4b:s1+s2], $0x4000, $0x38;
	[tilespmem:$0x1C000] =	vst v63  }
0x151: {  	_ =	swait.ge [sflag:s14], $0x4000  }
0x152: {  	[sflag:s14] =	ssyncset.done $0x0  }
0x153: {  	s1 =	rddreg [dreg:$0xc];
	[sflag:s14] =	ssyncadd.s32 $0xFFFFC000  }
0x154: {  	[hbm4b:s1+s2] =	stream.linear.scatter [tilespmem:s6], [sflag:$0x9], $0x4000, $0x38;
	[tilespmem:$0x1C000] =	vst v63  }
0x155: {  	_ =	swait.ge [sflag:s3], $0x4000  }
0x156: {  	[sflag:s3] =	ssyncset.done $0x0  }
0x157: {  	s1 =	rddreg [dreg:$0xd];
	[sflag:s3] =	ssyncadd.s32 $0xFFFFC000  }
0x158: {  	[tilespmem:s6], [sflag:$0x2] =	stream.linear.gather [hbm4b:s1+s2], $0x4000, $0x38;
	[tilespmem:$0x1C000] =	vst v63  }
0x159: {  	_ =	swait.ge [sflag:s31], $0x4000  }
0x15a: {  	[sflag:s31] =	ssyncset.done $0x0  }
0x15b: {  	s1 =	rddreg [dreg:$0xe];
	[sflag:s31] =	ssyncadd.s32 $0xFFFFC000  }
0x15c: {  	[hbm4b:s1+s2] =	stream.linear.scatter [tilespmem:s25], [sflag:$0xA], $0x4000, $0x38;
	[tilespmem:$0x1C000] =	vst v63  }
0x15d: {  	_ =	swait.ge [sflag:s12], $0x4000  }
0x15e: {  	[sflag:s12] =	ssyncset.done $0x0  }
0x15f: {  	s1 =	rddreg [dreg:$0xf];
	[sflag:s12] =	ssyncadd.s32 $0xFFFFC000  }
0x160: {  	[tilespmem:s25], [sflag:$0x3] =	stream.linear.gather [hbm4b:s1+s2], $0x4000, $0x38;
	[tilespmem:$0x1C000] =	vst v63  }
0x161: {  	_ =	swait.ge [sflag:s29], $0x4000  }
0x162: {  	[sflag:s29] =	ssyncset.done $0x0  }
0x163: {  	s1 =	rddreg [dreg:$0x10];
	[sflag:s29] =	ssyncadd.s32 $0xFFFFC000  }
0x164: {  	[hbm4b:s1+s2] =	stream.linear.scatter [tilespmem:s24], [sflag:$0xB], $0x4000, $0x38;
	[tilespmem:$0x1C000] =	vst v63  }
0x165: {  	_ =	swait.ge [sflag:s10], $0x4000  }
0x166: {  	[sflag:s10] =	ssyncset.done $0x0  }
0x167: {  	s1 =	rddreg [dreg:$0x11];
	[sflag:s10] =	ssyncadd.s32 $0xFFFFC000  }
0x168: {  	[tilespmem:s24], [sflag:$0x4] =	stream.linear.gather [hbm4b:s1+s2], $0x4000, $0x38;
	[tilespmem:$0x1C000] =	vst v63  }
0x169: {  	_ =	swait.ge [sflag:s30], $0x4000  }
0x16a: {  	[sflag:s30] =	ssyncset.done $0x0  }
0x16b: {  	s1 =	rddreg [dreg:$0x12];
	[sflag:s30] =	ssyncadd.s32 $0xFFFFC000  }
0x16c: {  	[hbm4b:s1+s2] =	stream.linear.scatter [tilespmem:s23], [sflag:$0xC], $0x4000, $0x38;
	[tilespmem:$0x1C000] =	vst v63  }
0x16d: {  	_ =	swait.ge [sflag:s15], $0x4000  }
0x16e: {  	[sflag:s15] =	ssyncset.done $0x0  }
0x16f: {  	s1 =	rddreg [dreg:$0x13];
	[sflag:s15] =	ssyncadd.s32 $0xFFFFC000  }
0x170: {  	[tilespmem:s23], [sflag:$0x5] =	stream.linear.gather [hbm4b:s1+s2], $0x4000, $0x38;
	[tilespmem:$0x1C000] =	vst v63  }
0x171: {  	_ =	swait.ge [sflag:s28], $0x4000  }
0x172: {  	[sflag:s28] =	ssyncset.done $0x0  }
0x173: {  	s1 =	rddreg [dreg:$0x14];
	[sflag:s28] =	ssyncadd.s32 $0xFFFFC000  }
0x174: {  	[hbm4b:s1+s2] =	stream.linear.scatter [tilespmem:s21], [sflag:$0xD], $0x4000, $0x38;
	[tilespmem:$0x1C000] =	vst v63  }
0x175: {  	_ =	swait.ge [sflag:s13], $0x4000  }
0x176: {  	[sflag:s13] =	ssyncset.done $0x0  }
0x177: {  	s1 =	rddreg [dreg:$0x15];
	[sflag:s13] =	ssyncadd.s32 $0xFFFFC000  }
0x178: {  	[tilespmem:s21], [sflag:$0x6] =	stream.linear.gather [hbm4b:s1+s2], $0x4000, $0x38;
	[tilespmem:$0x1C000] =	vst v63  }
0x179: {  	_ =	swait.ge [sflag:s26], $0x4000  }
0x17a: {  	[sflag:s26] =	ssyncset.done $0x0  }
0x17b: {  	s1 =	rddreg [dreg:$0x16];
	[sflag:s26] =	ssyncadd.s32 $0xFFFFC000  }
0x17c: {  	[hbm4b:s1+s2] =	stream.linear.scatter [tilespmem:s19], [sflag:$0xE], $0x4000, $0x38;
	[tilespmem:$0x1C000] =	vst v63  }
0x17d: {  	_ =	swait.ge [sflag:s11], $0x4000  }
0x17e: {  	[sflag:s11] =	ssyncset.done $0x0  }
0x17f: {  	s1 =	rddreg [dreg:$0x17];
	[sflag:s11] =	ssyncadd.s32 $0xFFFFC000  }
0x180: {  	[tilespmem:s19], [sflag:$0x7] =	stream.linear.gather [hbm4b:s1+s2], $0x4000, $0x38;
	[tilespmem:$0x1C000] =	vst v63  }
0x181: {  	_ =	swait.ge [sflag:s17], $0x4000  }
0x182: {  	[sflag:s17] =	ssyncset.done $0x0  }
0x183: {  	s1 =	rddreg [dreg:$0x18];
	[sflag:s17] =	ssyncadd.s32 $0xFFFFC000  }
0x184: {  	[hbm4b:s1+s2] =	stream.linear.scatter [tilespmem:s2], [sflag:$0x8], $0x4000, $0x38;
	[tilespmem:$0x1C000] =	vst v63  }
0x185: {  	_ =	swait.ge [sflag:s4], $0x4000  }
0x186: {  	[sflag:s4] =	ssyncset.done $0x0  }
0x187: {  	s1 =	rddreg [dreg:$0x19];
	[sflag:s4] =	ssyncadd.s32 $0xFFFFC000  }
0x188: {  	[tilespmem:s2], [sflag:$0x1] =	stream.linear.gather [hbm4b:s1+s2], $0x4000, $0x38;
	[tilespmem:$0x1C000] =	vst v63  }
0x189: {  	_ =	swait.ge [sflag:s14], $0x4000  }
0x18a: {  	[sflag:s14] =	ssyncset.done $0x0  }
0x18b: {  	s1 =	rddreg [dreg:$0x1a];
	[sflag:s14] =	ssyncadd.s32 $0xFFFFC000  }
0x18c: {  	[hbm4b:s1+s2] =	stream.linear.scatter [tilespmem:s6], [sflag:$0x9], $0x4000, $0x38;
	[tilespmem:$0x1C000] =	vst v63  }
0x18d: {  	_ =	swait.ge [sflag:s3], $0x4000  }
0x18e: {  	[sflag:s3] =	ssyncset.done $0x0  }
0x18f: {  	[sflag:s3] =	ssyncadd.s32 $0xFFFFC000  }
0x190: {  	[tilespmem:s6], [sflag:$0x2] =	stream.linear.gather [hbm4b:s22+s2], $0x4000, $0x38;
	[tilespmem:$0x1C000] =	vst v63  }
0x191: {  	_ =	swait.ge [sflag:s31], $0x4000  }
0x192: {  	[sflag:s31] =	ssyncset.done $0x0  }
0x193: {  	[sflag:s31] =	ssyncadd.s32 $0xFFFFC000  }
0x194: {  	[hbm4b:s20+s2] =	stream.linear.scatter [tilespmem:s25], [sflag:$0xA], $0x4000, $0x38;
	[tilespmem:$0x1C000] =	vst v63  }
0x195: {  	_ =	swait.ge [sflag:s29], $0x4000  }
0x196: {  	[sflag:s29] =	ssyncset.done $0x0  }
0x197: {  	[sflag:s29] =	ssyncadd.s32 $0xFFFFC000  }
0x198: {  	[hbm4b:s18+s2] =	stream.linear.scatter [tilespmem:s24], [sflag:$0xB], $0x4000, $0x38;
	[tilespmem:$0x1C000] =	vst v63  }
0x199: {  	_ =	swait.ge [sflag:s30], $0x4000  }
0x19a: {  	[sflag:s30] =	ssyncset.done $0x0  }
0x19b: {  	[sflag:s30] =	ssyncadd.s32 $0xFFFFC000  }
0x19c: {  	[hbm4b:s16+s2] =	stream.linear.scatter [tilespmem:s23], [sflag:$0xC], $0x4000, $0x38;
	[tilespmem:$0x1C000] =	vst v63  }
0x19d: {  	_ =	swait.ge [sflag:s28], $0x4000  }
0x19e: {  	[sflag:s28] =	ssyncset.done $0x0  }
0x19f: {  	[sflag:s28] =	ssyncadd.s32 $0xFFFFC000  }
0x1a0: {  	[hbm4b:s9+s2] =	stream.linear.scatter [tilespmem:s21], [sflag:$0xD], $0x4000, $0x38;
	[tilespmem:$0x1C000] =	vst v63  }
0x1a1: {  	_ =	swait.ge [sflag:s26], $0x4000  }
0x1a2: {  	[sflag:s26] =	ssyncset.done $0x0  }
0x1a3: {  	[sflag:s26] =	ssyncadd.s32 $0xFFFFC000  }
0x1a4: {  	[hbm4b:s8+s2] =	stream.linear.scatter [tilespmem:s19], [sflag:$0xE], $0x4000, $0x38;
	[tilespmem:$0x1C000] =	vst v63  }
0x1a5: {  	_ =	swait.ge [sflag:s17], $0x4000  }
0x1a6: {  	[sflag:s17] =	ssyncset.done $0x0  }
0x1a7: {  	[sflag:s17] =	ssyncadd.s32 $0xFFFFC000  }
0x1a8: {  	[hbm4b:s7+s2] =	stream.linear.scatter [tilespmem:s2], [sflag:$0x8], $0x4000, $0x38;
	[tilespmem:$0x1C000] =	vst v63  }
0x1a9: {  	_ =	swait.ge [sflag:s14], $0x4000  }
0x1aa: {  	[sflag:s14] =	ssyncset.done $0x0  }
0x1ab: {  	[sflag:s14] =	ssyncadd.s32 $0xFFFFC000  }
0x1ac: {  	[hbm4b:s5+s2] =	stream.linear.scatter [tilespmem:s6], [sflag:$0x9], $0x4000, $0x38;
	[tilespmem:$0x1C000] =	vst v63  }
0x1ad: {  	_ =	swait.ge [sflag:s12], $0x4000  }
0x1ae: {  	[sflag:s12] =	ssyncset.done $0x0  }
0x1af: {  	[sflag:s12] =	ssyncadd.s32 $0xFFFFC000  }
0x1b0: {  	_ =	swait.ge [sflag:s10], $0x4000  }
0x1b1: {  	[sflag:s10] =	ssyncset.done $0x0  }
0x1b2: {  	[sflag:s10] =	ssyncadd.s32 $0xFFFFC000  }
0x1b3: {  	_ =	swait.ge [sflag:s15], $0x4000  }
0x1b4: {  	[sflag:s15] =	ssyncset.done $0x0  }
0x1b5: {  	[sflag:s15] =	ssyncadd.s32 $0xFFFFC000  }
0x1b6: {  	_ =	swait.ge [sflag:s13], $0x4000  }
0x1b7: {  	[sflag:s13] =	ssyncset.done $0x0  }
0x1b8: {  	[sflag:s13] =	ssyncadd.s32 $0xFFFFC000  }
0x1b9: {  	_ =	swait.ge [sflag:s11], $0x4000  }
0x1ba: {  	[sflag:s11] =	ssyncset.done $0x0  }
0x1bb: {  	[sflag:s11] =	ssyncadd.s32 $0xFFFFC000  }
0x1bc: {  	_ =	swait.ge [sflag:s4], $0x4000  }
0x1bd: {  	[sflag:s4] =	ssyncset.done $0x0  }
0x1be: {  	[sflag:s4] =	ssyncadd.s32 $0xFFFFC000  }
0x1bf: {  	_ =	swait.ge [sflag:s3], $0x4000  }
0x1c0: {  	[sflag:s3] =	ssyncset.done $0x0  }
0x1c1: {  	[sflag:s3] =	ssyncadd.s32 $0xFFFFC000  }
0x1c2: {  	_ =	sfence.sel $0x180000  }
0x1c3: {  	[bflag:$0x0] =	sbarrier.arrive $0xFFFF  }
0x1c4: {  	_ =	strace $0x90000047  }
0x1c5: {  	s31 =	stileid.u32;
	[bflag:$0x2] =	sbarrier.arrive $0xFFFF  }
0x1c6: {  	p0 =	sne.s32 s31, $0x0;
	s0 =	rddreg [dreg:$0x2]  }
0x1c7: {  	s0 =	sadd.s32 @!p0 $0x100000, s0  }
0x1c8: {  	[sflag:s0] =	ssyncadd.tile.s32 @!p0 $0x1;
	_ =	shalt  }
.Lfunc_end2:
_tile_overlayer_lowered:
.L_overlay_start_2:
0x1c9: {  	(tag) =	ssettag $0x2  }
0x1ca: {  	s0 =	rddreg [dreg:$0x0];
	s2 =	stileid.u32  }
0x1cb: {  	s1 =	rddreg [dreg:$0x1];
	p0 =	sne.s32 s2, $0x0  }
0x1cc: {  	s3 =	rddreg [dreg:$0x2];
	[bflag:$0x3] =	sbarrier.arrive $0xFFFF;
	s2 =	simm.s32 @!p0 $0x1C0F  }
0x1cd: {  	[timem:s3], [sflag:s2] =	dma.local @!p0 [hbm:s0], s1  }
0x1ce: {  	s0 =	simm.s32 @!p0 $0xF  }
0x1cf: {  	_ =	swait.ge @!p0 [sflag:s0], s1  }
0x1d0: {  	s1 =	ssub.s32 @!p0 $0x0, s1;
	[sflag:s0] =	ssyncset.done @!p0 $0x0  }
0x1d1: {  	[sflag:s0] =	ssyncadd.s32 @!p0 s1  }
0x1d2: {  	[bflag:$0x3] =	sbarrier.arrive $0xFFFF  }
0x1d3: {  	_ =	shalt  }

</sc_bundles>
